<compile_context>
chip_gen: v7x
topology: tpu7x:2x2x1
jax: 0.10.2.dev20260603
libtpu: 0.0.44.dev20260713+nightly
codegen_flags: <defaults>
</compile_context>

<pallas_src>
import functools

import jax
import jax.numpy as jnp
from jax import lax
from jax.experimental import pallas as pl
from jax.experimental.pallas import tpu as pltpu
from jax.experimental.pallas import tpu_sc as plsc

NC = 2
NS = 16
NW = NC * NS
L = 16
CB = 4096
UNR = 8
FPW = 2


def _build(B, W, Fm1, V1):
  NCH = B // CB
  assert W == FPW * NW and B % CB == 0 and CB % (L * UNR) == 0

  mesh = plsc.VectorSubcoreMesh(core_axis_name="c", subcore_axis_name="s")

  @functools.partial(
      pl.kernel,
      out_type=jax.ShapeDtypeStruct((W, B), jnp.float32),
      mesh=mesh,
      scratch_types=[
          pltpu.VMEM((1, 1, V1), jnp.float32),
          pltpu.VMEM((1, B), jnp.float32),
          pltpu.VMEM((1, CB), jnp.int32),
          pltpu.VMEM((1, CB), jnp.int32),
          pltpu.VMEM((Fm1, L), jnp.float32),
          pltpu.SemaphoreType.DMA,
          pltpu.SemaphoreType.DMA,
          pltpu.SemaphoreType.DMA,
      ],
      compiler_params=pltpu.CompilerParams(
          use_tc_tiling_on_sc=True, needs_layout_passes=False),
  )
  def kern(e0r, tabs, xT, zb, out,
           col_v, out_v, idx0, idx1, zb_v, csem, isem0, isem1):
    wid = lax.axis_index("s") * NC + lax.axis_index("c")
    zz = jnp.zeros((L,), jnp.int32)
    ibufs = (idx0, idx1)
    isems = (isem0, isem1)

    pltpu.sync_copy(zb, zb_v)

    def column_pass(col_src, ridx, w):
      ch = pltpu.async_copy(col_src, col_v, csem)
      handles = {0: pltpu.async_copy(
          xT.at[pl.ds(ridx, 1), pl.ds(0, CB)], ibufs[0], isems[0])}
      ch.wait()
      for c in range(NCH):
        if c + 1 < NCH:
          nxt = (c + 1) % 2
          handles[c + 1] = pltpu.async_copy(
              xT.at[pl.ds(ridx, 1), pl.ds((c + 1) * CB, CB)],
              ibufs[nxt], isems[nxt])
        handles[c].wait()
        buf = ibufs[c % 2]

        def body(g, carry, c=c, buf=buf):
          for u in range(UNR):
            k = g * (L * UNR) + u * L
            v = buf[0, pl.ds(k, L)]
            val = plsc.load_gather(col_v, [zz, zz, v])
            boff = c * CB + k
            if w is None:
              out_v[0, pl.ds(boff, L)] = val
            else:
              out_v[0, pl.ds(boff, L)] = out_v[0, pl.ds(boff, L)] + w * val
          return carry

        lax.fori_loop(0, CB // (L * UNR), body, 0)

    def fbody(f_sel, carry):
      f = wid * FPW + f_sel
      column_pass(e0r.at[pl.ds(0, 1), pl.ds(f, 1), pl.ds(0, V1)], 0, None)

      def tbody(i, carry2, f=f):
        wrow = plsc.load_gather(
            zb_v, [jnp.full((L,), i, jnp.int32), lax.iota(jnp.int32, L)])
        w = 0.5 * jnp.exp(wrow)
        column_pass(
            tabs.at[pl.ds(i, 1), pl.ds(f, 1), pl.ds(0, V1)], i + 1, w)
        return carry2

      lax.fori_loop(0, Fm1, tbody, 0)
      pltpu.sync_copy(out_v, out.at[pl.ds(f, 1), pl.ds(0, B)])
      return carry

    lax.fori_loop(0, FPW, fbody, 0)

  return kern


@jax.jit
def kernel(x, embed0, tables, zero):
  B, F = x.shape
  V1, W = embed0.shape
  Fm1 = F - 1

  tabs = tables.transpose(0, 2, 1)
  e0r = embed0.T.reshape(1, W, V1)
  xT = x.T
  zb = jnp.broadcast_to(zero[:, None], (Fm1, L))

  kern = _build(B, W, Fm1, V1)
  outT = kern(e0r, tabs, xT, zb)
  return outT.T

# --- scband reference (transcript-rebuilt; emitter-appended) ---
"""Pipeline reference for scband-embed-block-4217657884930 (READ-ONLY COPY).

The authoritative reference and input builder live on the scoring server;
editing this copy changes nothing except your own understanding.
"""

import jax, jax.numpy as jnp
import numpy as np

B = 16384
V = 100000
W = 64
F = 26


def setup_inputs(seed: int = 0) -> dict:
    key = jax.random.key(seed)
    k1, k2, k3 = jax.random.split(key, 3)
    x = jax.random.randint(k1, (B, F), 0, V, dtype=jnp.int32)
    # embed0: nn.Embedding(size[0]+1, width)
    embed0 = jax.random.normal(k2, (V + 1, W), dtype=jnp.float32)
    # embed1: 25 tables, each (size+1, width), padding_idx=0 -> row 0 zeroed
    tables = jax.random.normal(k3, (F - 1, V + 1, W), dtype=jnp.float32)
    tables = tables.at[:, 0, :].set(0.0)
    # self.zero parameter initialized to zeros(len(size)-1)
    zero = jnp.zeros((F - 1,), dtype=jnp.float32)
    return {"x": x, "embed0": embed0, "tables": tables, "zero": zero}


def reference(x, embed0, tables, zero):
    # x0 = self.embed0(x[:, 0])
    x0 = jnp.take(embed0, x[:, 0], axis=0)  # [B, W]
    # x1 = concat([e(x[:, i+1])[:, :, None] for i, e in enumerate(self.embed1)], dim=-1)
    idx = x[:, 1:].T  # [F-1, B]
    gathered = jax.vmap(lambda t, i: jnp.take(t, i, axis=0))(tables, idx)  # [F-1, B, W]
    x1 = jnp.transpose(gathered, (1, 2, 0))  # [B, W, F-1]
    # xx = x0 + sum(x1 * exp(self.zero), dim=-1)
    xx = x0 + jnp.sum(x1 * jnp.exp(zero), axis=-1)
    # x0 was reassigned in forward, so the else branch always runs: (x0 + xx) / 2
    return (x0 + xx) / 2.0

if __name__ == "__main__":
    import jax
    _d = setup_inputs()
    print(jax.jit(kernel)(*tuple(_d.values())))

</pallas_src>

<mosaic_0001>
#map = affine_map<(d0, d1) -> (0, 0, 0)>
#map1 = affine_map<(d0, d1) -> (0, 0)>
module attributes {stable_mosaic.version = 14 : i64} {
  func.func @kern(%arg0: i32, %arg1: i32, %arg2: memref<1x64x100001xf32, #tpu.memory_space<hbm>>, %arg3: memref<25x64x100001xf32, #tpu.memory_space<hbm>>, %arg4: memref<26x16384xi32, #tpu.memory_space<hbm>>, %arg5: memref<25x16xf32, #tpu.memory_space<hbm>>, %arg6: memref<64x16384xf32, #tpu.memory_space<hbm>>, %arg7: memref<1x1x100001xf32, #tpu.memory_space<vmem>>, %arg8: memref<1x16384xf32, #tpu.memory_space<vmem>>, %arg9: memref<1x4096xi32, #tpu.memory_space<vmem>>, %arg10: memref<1x4096xi32, #tpu.memory_space<vmem>>, %arg11: memref<25x16xf32, #tpu.memory_space<vmem>>, %arg12: memref<!tpu.dma_semaphore, #tpu.memory_space<semaphore_mem>>, %arg13: memref<!tpu.dma_semaphore, #tpu.memory_space<semaphore_mem>>, %arg14: memref<!tpu.dma_semaphore, #tpu.memory_space<semaphore_mem>>) attributes {dimension_semantics = [#tpu.dimension_semantics<core_parallel>, #tpu.dimension_semantics<subcore_parallel>], iteration_bounds = array<i64: 2, 16>, scalar_prefetch = 0 : i64, scratch_operands = 8 : i64, tpu.core_type = #tpu.core_type<sc_vector_subcore>, window_params = [{transform_indices = #map}, {transform_indices = #map}, {transform_indices = #map1}, {transform_indices = #map1}, {transform_indices = #map1}]} {
    %mul3A = arith.constant 2 : i32
    %mul3A_0 = arith.muli %arg1, %mul3A : i32
    %add3A = arith.addi %mul3A_0, %arg0 : i32
    %broadcast_in_dim3A = arith.constant 0 : i32
    %broadcast_in_dim3A_1 = vector.broadcast %broadcast_in_dim3A : i32 to vector<16xi32>
    "tpu.region"() ({
      %run_scoped3A = tpu.sem_alloc : memref<!tpu.dma_semaphore, #tpu.memory_space<semaphore_mem>>
      tpu.enqueue_dma source(%arg5 : memref<25x16xf32, #tpu.memory_space<hbm>>) target(%arg11 : memref<25x16xf32, #tpu.memory_space<vmem>>) target_semaphore(%run_scoped3A : memref<!tpu.dma_semaphore, #tpu.memory_space<semaphore_mem>>)
      tpu.wait_dma2 semaphore(%run_scoped3A : memref<!tpu.dma_semaphore, #tpu.memory_space<semaphore_mem>>) src(%arg5 : memref<25x16xf32, #tpu.memory_space<hbm>>) dst(%arg11 : memref<25x16xf32, #tpu.memory_space<vmem>>)
      tpu.yield
    }) : () -> ()
    %scan3A = arith.constant 0 : i32
    %scan3A_2 = arith.constant 0 : i32
    %scan3A_3 = arith.constant 2 : i32
    %scan3A_4 = arith.addi %scan3A_2, %scan3A_3 : i32
    %scan3A_5 = arith.constant 1 : i32
    scf.for %scan3A_7 = %scan3A_2 to %scan3A_4 step %scan3A_5  : i32 {
      %mul3A_8 = arith.constant 2 : i32
      %mul3A_9 = arith.muli %add3A, %mul3A_8 : i32
      %add3A_10 = arith.addi %mul3A_9, %scan3A_7 : i32
      %dma_start3A = arith.constant 0 : i32
      %dma_start3A_11 = arith.constant 0 : i32
      %dma_start3A_12 = tpu.memref_slice %arg2[%dma_start3A, %add3A_10, %dma_start3A_11] : memref<1x64x100001xf32, #tpu.memory_space<hbm>> -> memref<1x1x100001xf32, #tpu.memory_space<hbm>>
      %dma_start3A_13 = arith.constant 0 : i32
      %dma_start3A_14 = arith.constant 0 : i32
      %dma_start3A_15 = tpu.memref_slice %arg2[%dma_start3A_13, %add3A_10, %dma_start3A_14] : memref<1x64x100001xf32, #tpu.memory_space<hbm>> -> memref<1x1x100001xf32, #tpu.memory_space<hbm>>
      tpu.enqueue_dma source(%dma_start3A_15 : memref<1x1x100001xf32, #tpu.memory_space<hbm>>) target(%arg7 : memref<1x1x100001xf32, #tpu.memory_space<vmem>>) target_semaphore(%arg12 : memref<!tpu.dma_semaphore, #tpu.memory_space<semaphore_mem>>)
      %dma_start3A_16 = arith.constant 0 : i32
      %dma_start3A_17 = arith.constant 0 : i32
      %dma_start3A_18 = tpu.memref_slice %arg4[%dma_start3A_16, %dma_start3A_17] : memref<26x16384xi32, #tpu.memory_space<hbm>> -> memref<1x4096xi32, #tpu.memory_space<hbm>>
      %dma_start3A_19 = arith.constant 0 : i32
      %dma_start3A_20 = arith.constant 0 : i32
      %dma_start3A_21 = tpu.memref_slice %arg4[%dma_start3A_19, %dma_start3A_20] : memref<26x16384xi32, #tpu.memory_space<hbm>> -> memref<1x4096xi32, #tpu.memory_space<hbm>>
      tpu.enqueue_dma source(%dma_start3A_21 : memref<1x4096xi32, #tpu.memory_space<hbm>>) target(%arg9 : memref<1x4096xi32, #tpu.memory_space<vmem>>) target_semaphore(%arg13 : memref<!tpu.dma_semaphore, #tpu.memory_space<semaphore_mem>>)
      %dma_wait3A = arith.constant 0 : i32
      %dma_wait3A_22 = arith.constant 0 : i32
      %dma_wait3A_23 = tpu.memref_slice %arg2[%dma_wait3A, %add3A_10, %dma_wait3A_22] : memref<1x64x100001xf32, #tpu.memory_space<hbm>> -> memref<1x1x100001xf32, #tpu.memory_space<hbm>>
      %dma_wait3A_24 = arith.constant 0 : i32
      %dma_wait3A_25 = arith.constant 0 : i32
      %dma_wait3A_26 = tpu.memref_slice %arg2[%dma_wait3A_24, %add3A_10, %dma_wait3A_25] : memref<1x64x100001xf32, #tpu.memory_space<hbm>> -> memref<1x1x100001xf32, #tpu.memory_space<hbm>>
      tpu.wait_dma2 semaphore(%arg12 : memref<!tpu.dma_semaphore, #tpu.memory_space<semaphore_mem>>) src(%dma_wait3A_26 : memref<1x1x100001xf32, #tpu.memory_space<hbm>>) dst(%arg7 : memref<1x1x100001xf32, #tpu.memory_space<vmem>>)
      %dma_start3A_27 = arith.constant 0 : i32
      %dma_start3A_28 = arith.constant 4096 : i32
      %dma_start3A_29 = tpu.memref_slice %arg4[%dma_start3A_27, %dma_start3A_28] : memref<26x16384xi32, #tpu.memory_space<hbm>> -> memref<1x4096xi32, #tpu.memory_space<hbm>>
      %dma_start3A_30 = arith.constant 0 : i32
      %dma_start3A_31 = arith.constant 4096 : i32
      %dma_start3A_32 = tpu.memref_slice %arg4[%dma_start3A_30, %dma_start3A_31] : memref<26x16384xi32, #tpu.memory_space<hbm>> -> memref<1x4096xi32, #tpu.memory_space<hbm>>
      tpu.enqueue_dma source(%dma_start3A_32 : memref<1x4096xi32, #tpu.memory_space<hbm>>) target(%arg10 : memref<1x4096xi32, #tpu.memory_space<vmem>>) target_semaphore(%arg14 : memref<!tpu.dma_semaphore, #tpu.memory_space<semaphore_mem>>)
      %dma_wait3A_33 = arith.constant 0 : i32
      %dma_wait3A_34 = arith.constant 0 : i32
      %dma_wait3A_35 = tpu.memref_slice %arg4[%dma_wait3A_33, %dma_wait3A_34] : memref<26x16384xi32, #tpu.memory_space<hbm>> -> memref<1x4096xi32, #tpu.memory_space<hbm>>
      %dma_wait3A_36 = arith.constant 0 : i32
      %dma_wait3A_37 = arith.constant 0 : i32
      %dma_wait3A_38 = tpu.memref_slice %arg4[%dma_wait3A_36, %dma_wait3A_37] : memref<26x16384xi32, #tpu.memory_space<hbm>> -> memref<1x4096xi32, #tpu.memory_space<hbm>>
      tpu.wait_dma2 semaphore(%arg13 : memref<!tpu.dma_semaphore, #tpu.memory_space<semaphore_mem>>) src(%dma_wait3A_38 : memref<1x4096xi32, #tpu.memory_space<hbm>>) dst(%arg9 : memref<1x4096xi32, #tpu.memory_space<vmem>>)
      %scan3A_39 = arith.constant 0 : i32
      %scan3A_40 = arith.constant 0 : i32
      %scan3A_41 = arith.constant 32 : i32
      %scan3A_42 = arith.addi %scan3A_40, %scan3A_41 : i32
      %scan3A_43 = arith.constant 1 : i32
      scf.for %scan3A_99 = %scan3A_40 to %scan3A_42 step %scan3A_43  : i32 {
        %mul3A_100 = arith.constant 128 : i32
        %mul3A_101 = arith.muli %scan3A_99, %mul3A_100 : i32
        %add3A_102 = arith.constant 0 : i32
        %add3A_103 = arith.addi %mul3A_101, %add3A_102 : i32
        %get3A = arith.constant 0 : i32
        %get3A_104 = arith.index_cast %get3A : i32 to index
        %get3A_105 = arith.index_cast %add3A_103 : i32 to index
        %get3A_106 = tpu.vector_load %arg9[%get3A_104, %get3A_105] {strides = array<i32>} : memref<1x4096xi32, #tpu.memory_space<vmem>>, vector<16xi32>,
        %gather3A = tpu.vector_load_idx %arg7[%broadcast_in_dim3A_1, %broadcast_in_dim3A_1, %get3A_106] : memref<1x1x100001xf32, #tpu.memory_space<vmem>>[vector<16xi32>, vector<16xi32>, vector<16xi32>], vector<16xf32>,
        %add3A_107 = arith.constant 0 : i32
        %add3A_108 = arith.addi %add3A_107, %add3A_103 : i32
        %swap3A = arith.constant 0 : i32
        %swap3A_109 = arith.index_cast %swap3A : i32 to index
        %swap3A_110 = arith.index_cast %add3A_108 : i32 to index
        %swap3A_111 = tpu.vector_load %arg8[%swap3A_109, %swap3A_110] {strides = array<i32>} : memref<1x16384xf32, #tpu.memory_space<vmem>>, vector<16xf32>,
        tpu.vector_store %arg8[%swap3A_109, %swap3A_110], %gather3A {strides = array<i32>} : memref<1x16384xf32, #tpu.memory_space<vmem>>, vector<16xf32>,
        %mul3A_112 = arith.constant 128 : i32
        %mul3A_113 = arith.muli %scan3A_99, %mul3A_112 : i32
        %add3A_114 = arith.constant 16 : i32
        %add3A_115 = arith.addi %mul3A_113, %add3A_114 : i32
        %get3A_116 = arith.constant 0 : i32
        %get3A_117 = arith.index_cast %get3A_116 : i32 to index
        %get3A_118 = arith.index_cast %add3A_115 : i32 to index
        %get3A_119 = tpu.vector_load %arg9[%get3A_117, %get3A_118] {strides = array<i32>} : memref<1x4096xi32, #tpu.memory_space<vmem>>, vector<16xi32>,
        %gather3A_120 = tpu.vector_load_idx %arg7[%broadcast_in_dim3A_1, %broadcast_in_dim3A_1, %get3A_119] : memref<1x1x100001xf32, #tpu.memory_space<vmem>>[vector<16xi32>, vector<16xi32>, vector<16xi32>], vector<16xf32>,
        %add3A_121 = arith.constant 0 : i32
        %add3A_122 = arith.addi %add3A_121, %add3A_115 : i32
        %swap3A_123 = arith.constant 0 : i32
        %swap3A_124 = arith.index_cast %swap3A_123 : i32 to index
        %swap3A_125 = arith.index_cast %add3A_122 : i32 to index
        %swap3A_126 = tpu.vector_load %arg8[%swap3A_124, %swap3A_125] {strides = array<i32>} : memref<1x16384xf32, #tpu.memory_space<vmem>>, vector<16xf32>,
        tpu.vector_store %arg8[%swap3A_124, %swap3A_125], %gather3A_120 {strides = array<i32>} : memref<1x16384xf32, #tpu.memory_space<vmem>>, vector<16xf32>,
        %mul3A_127 = arith.constant 128 : i32
        %mul3A_128 = arith.muli %scan3A_99, %mul3A_127 : i32
        %add3A_129 = arith.constant 32 : i32
        %add3A_130 = arith.addi %mul3A_128, %add3A_129 : i32
        %get3A_131 = arith.constant 0 : i32
        %get3A_132 = arith.index_cast %get3A_131 : i32 to index
        %get3A_133 = arith.index_cast %add3A_130 : i32 to index
        %get3A_134 = tpu.vector_load %arg9[%get3A_132, %get3A_133] {strides = array<i32>} : memref<1x4096xi32, #tpu.memory_space<vmem>>, vector<16xi32>,
        %gather3A_135 = tpu.vector_load_idx %arg7[%broadcast_in_dim3A_1, %broadcast_in_dim3A_1, %get3A_134] : memref<1x1x100001xf32, #tpu.memory_space<vmem>>[vector<16xi32>, vector<16xi32>, vector<16xi32>], vector<16xf32>,
        %add3A_136 = arith.constant 0 : i32
        %add3A_137 = arith.addi %add3A_136, %add3A_130 : i32
        %swap3A_138 = arith.constant 0 : i32
        %swap3A_139 = arith.index_cast %swap3A_138 : i32 to index
        %swap3A_140 = arith.index_cast %add3A_137 : i32 to index
        %swap3A_141 = tpu.vector_load %arg8[%swap3A_139, %swap3A_140] {strides = array<i32>} : memref<1x16384xf32, #tpu.memory_space<vmem>>, vector<16xf32>,
        tpu.vector_store %arg8[%swap3A_139, %swap3A_140], %gather3A_135 {strides = array<i32>} : memref<1x16384xf32, #tpu.memory_space<vmem>>, vector<16xf32>,
        %mul3A_142 = arith.constant 128 : i32
        %mul3A_143 = arith.muli %scan3A_99, %mul3A_142 : i32
        %add3A_144 = arith.constant 48 : i32
        %add3A_145 = arith.addi %mul3A_143, %add3A_144 : i32
        %get3A_146 = arith.constant 0 : i32
        %get3A_147 = arith.index_cast %get3A_146 : i32 to index
        %get3A_148 = arith.index_cast %add3A_145 : i32 to index
        %get3A_149 = tpu.vector_load %arg9[%get3A_147, %get3A_148] {strides = array<i32>} : memref<1x4096xi32, #tpu.memory_space<vmem>>, vector<16xi32>,
        %gather3A_150 = tpu.vector_load_idx %arg7[%broadcast_in_dim3A_1, %broadcast_in_dim3A_1, %get3A_149] : memref<1x1x100001xf32, #tpu.memory_space<vmem>>[vector<16xi32>, vector<16xi32>, vector<16xi32>], vector<16xf32>,
        %add3A_151 = arith.constant 0 : i32
        %add3A_152 = arith.addi %add3A_151, %add3A_145 : i32
        %swap3A_153 = arith.constant 0 : i32
        %swap3A_154 = arith.index_cast %swap3A_153 : i32 to index
        %swap3A_155 = arith.index_cast %add3A_152 : i32 to index
        %swap3A_156 = tpu.vector_load %arg8[%swap3A_154, %swap3A_155] {strides = array<i32>} : memref<1x16384xf32, #tpu.memory_space<vmem>>, vector<16xf32>,
        tpu.vector_store %arg8[%swap3A_154, %swap3A_155], %gather3A_150 {strides = array<i32>} : memref<1x16384xf32, #tpu.memory_space<vmem>>, vector<16xf32>,
        %mul3A_157 = arith.constant 128 : i32
        %mul3A_158 = arith.muli %scan3A_99, %mul3A_157 : i32
        %add3A_159 = arith.constant 64 : i32
        %add3A_160 = arith.addi %mul3A_158, %add3A_159 : i32
        %get3A_161 = arith.constant 0 : i32
        %get3A_162 = arith.index_cast %get3A_161 : i32 to index
        %get3A_163 = arith.index_cast %add3A_160 : i32 to index
        %get3A_164 = tpu.vector_load %arg9[%get3A_162, %get3A_163] {strides = array<i32>} : memref<1x4096xi32, #tpu.memory_space<vmem>>, vector<16xi32>,
        %gather3A_165 = tpu.vector_load_idx %arg7[%broadcast_in_dim3A_1, %broadcast_in_dim3A_1, %get3A_164] : memref<1x1x100001xf32, #tpu.memory_space<vmem>>[vector<16xi32>, vector<16xi32>, vector<16xi32>], vector<16xf32>,
        %add3A_166 = arith.constant 0 : i32
        %add3A_167 = arith.addi %add3A_166, %add3A_160 : i32
        %swap3A_168 = arith.constant 0 : i32
        %swap3A_169 = arith.index_cast %swap3A_168 : i32 to index
        %swap3A_170 = arith.index_cast %add3A_167 : i32 to index
        %swap3A_171 = tpu.vector_load %arg8[%swap3A_169, %swap3A_170] {strides = array<i32>} : memref<1x16384xf32, #tpu.memory_space<vmem>>, vector<16xf32>,
        tpu.vector_store %arg8[%swap3A_169, %swap3A_170], %gather3A_165 {strides = array<i32>} : memref<1x16384xf32, #tpu.memory_space<vmem>>, vector<16xf32>,
        %mul3A_172 = arith.constant 128 : i32
        %mul3A_173 = arith.muli %scan3A_99, %mul3A_172 : i32
        %add3A_174 = arith.constant 80 : i32
        %add3A_175 = arith.addi %mul3A_173, %add3A_174 : i32
        %get3A_176 = arith.constant 0 : i32
        %get3A_177 = arith.index_cast %get3A_176 : i32 to index
        %get3A_178 = arith.index_cast %add3A_175 : i32 to index
        %get3A_179 = tpu.vector_load %arg9[%get3A_177, %get3A_178] {strides = array<i32>} : memref<1x4096xi32, #tpu.memory_space<vmem>>, vector<16xi32>,
        %gather3A_180 = tpu.vector_load_idx %arg7[%broadcast_in_dim3A_1, %broadcast_in_dim3A_1, %get3A_179] : memref<1x1x100001xf32, #tpu.memory_space<vmem>>[vector<16xi32>, vector<16xi32>, vector<16xi32>], vector<16xf32>,
        %add3A_181 = arith.constant 0 : i32
        %add3A_182 = arith.addi %add3A_181, %add3A_175 : i32
        %swap3A_183 = arith.constant 0 : i32
        %swap3A_184 = arith.index_cast %swap3A_183 : i32 to index
        %swap3A_185 = arith.index_cast %add3A_182 : i32 to index
        %swap3A_186 = tpu.vector_load %arg8[%swap3A_184, %swap3A_185] {strides = array<i32>} : memref<1x16384xf32, #tpu.memory_space<vmem>>, vector<16xf32>,
        tpu.vector_store %arg8[%swap3A_184, %swap3A_185], %gather3A_180 {strides = array<i32>} : memref<1x16384xf32, #tpu.memory_space<vmem>>, vector<16xf32>,
        %mul3A_187 = arith.constant 128 : i32
        %mul3A_188 = arith.muli %scan3A_99, %mul3A_187 : i32
        %add3A_189 = arith.constant 96 : i32
        %add3A_190 = arith.addi %mul3A_188, %add3A_189 : i32
        %get3A_191 = arith.constant 0 : i32
        %get3A_192 = arith.index_cast %get3A_191 : i32 to index
        %get3A_193 = arith.index_cast %add3A_190 : i32 to index
        %get3A_194 = tpu.vector_load %arg9[%get3A_192, %get3A_193] {strides = array<i32>} : memref<1x4096xi32, #tpu.memory_space<vmem>>, vector<16xi32>,
        %gather3A_195 = tpu.vector_load_idx %arg7[%broadcast_in_dim3A_1, %broadcast_in_dim3A_1, %get3A_194] : memref<1x1x100001xf32, #tpu.memory_space<vmem>>[vector<16xi32>, vector<16xi32>, vector<16xi32>], vector<16xf32>,
        %add3A_196 = arith.constant 0 : i32
        %add3A_197 = arith.addi %add3A_196, %add3A_190 : i32
        %swap3A_198 = arith.constant 0 : i32
        %swap3A_199 = arith.index_cast %swap3A_198 : i32 to index
        %swap3A_200 = arith.index_cast %add3A_197 : i32 to index
        %swap3A_201 = tpu.vector_load %arg8[%swap3A_199, %swap3A_200] {strides = array<i32>} : memref<1x16384xf32, #tpu.memory_space<vmem>>, vector<16xf32>,
        tpu.vector_store %arg8[%swap3A_199, %swap3A_200], %gather3A_195 {strides = array<i32>} : memref<1x16384xf32, #tpu.memory_space<vmem>>, vector<16xf32>,
        %mul3A_202 = arith.constant 128 : i32
        %mul3A_203 = arith.muli %scan3A_99, %mul3A_202 : i32
        %add3A_204 = arith.constant 112 : i32
        %add3A_205 = arith.addi %mul3A_203, %add3A_204 : i32
        %get3A_206 = arith.constant 0 : i32
        %get3A_207 = arith.index_cast %get3A_206 : i32 to index
        %get3A_208 = arith.index_cast %add3A_205 : i32 to index
        %get3A_209 = tpu.vector_load %arg9[%get3A_207, %get3A_208] {strides = array<i32>} : memref<1x4096xi32, #tpu.memory_space<vmem>>, vector<16xi32>,
        %gather3A_210 = tpu.vector_load_idx %arg7[%broadcast_in_dim3A_1, %broadcast_in_dim3A_1, %get3A_209] : memref<1x1x100001xf32, #tpu.memory_space<vmem>>[vector<16xi32>, vector<16xi32>, vector<16xi32>], vector<16xf32>,
        %add3A_211 = arith.constant 0 : i32
        %add3A_212 = arith.addi %add3A_211, %add3A_205 : i32
        %swap3A_213 = arith.constant 0 : i32
        %swap3A_214 = arith.index_cast %swap3A_213 : i32 to index
        %swap3A_215 = arith.index_cast %add3A_212 : i32 to index
        %swap3A_216 = tpu.vector_load %arg8[%swap3A_214, %swap3A_215] {strides = array<i32>} : memref<1x16384xf32, #tpu.memory_space<vmem>>, vector<16xf32>,
        tpu.vector_store %arg8[%swap3A_214, %swap3A_215], %gather3A_210 {strides = array<i32>} : memref<1x16384xf32, #tpu.memory_space<vmem>>, vector<16xf32>,
      }
      %scan3A_44 = arith.constant 32 : i32
      %dma_start3A_45 = arith.constant 0 : i32
      %dma_start3A_46 = arith.constant 8192 : i32
      %dma_start3A_47 = tpu.memref_slice %arg4[%dma_start3A_45, %dma_start3A_46] : memref<26x16384xi32, #tpu.memory_space<hbm>> -> memref<1x4096xi32, #tpu.memory_space<hbm>>
      %dma_start3A_48 = arith.constant 0 : i32
      %dma_start3A_49 = arith.constant 8192 : i32
      %dma_start3A_50 = tpu.memref_slice %arg4[%dma_start3A_48, %dma_start3A_49] : memref<26x16384xi32, #tpu.memory_space<hbm>> -> memref<1x4096xi32, #tpu.memory_space<hbm>>
      tpu.enqueue_dma source(%dma_start3A_50 : memref<1x4096xi32, #tpu.memory_space<hbm>>) target(%arg9 : memref<1x4096xi32, #tpu.memory_space<vmem>>) target_semaphore(%arg13 : memref<!tpu.dma_semaphore, #tpu.memory_space<semaphore_mem>>)
      %dma_wait3A_51 = arith.constant 0 : i32
      %dma_wait3A_52 = arith.constant 4096 : i32
      %dma_wait3A_53 = tpu.memref_slice %arg4[%dma_wait3A_51, %dma_wait3A_52] : memref<26x16384xi32, #tpu.memory_space<hbm>> -> memref<1x4096xi32, #tpu.memory_space<hbm>>
      %dma_wait3A_54 = arith.constant 0 : i32
      %dma_wait3A_55 = arith.constant 4096 : i32
      %dma_wait3A_56 = tpu.memref_slice %arg4[%dma_wait3A_54, %dma_wait3A_55] : memref<26x16384xi32, #tpu.memory_space<hbm>> -> memref<1x4096xi32, #tpu.memory_space<hbm>>
      tpu.wait_dma2 semaphore(%arg14 : memref<!tpu.dma_semaphore, #tpu.memory_space<semaphore_mem>>) src(%dma_wait3A_56 : memref<1x4096xi32, #tpu.memory_space<hbm>>) dst(%arg10 : memref<1x4096xi32, #tpu.memory_space<vmem>>)
      %scan3A_57 = arith.constant 0 : i32
      %scan3A_58 = arith.constant 0 : i32
      %scan3A_59 = arith.constant 32 : i32
      %scan3A_60 = arith.addi %scan3A_58, %scan3A_59 : i32
      %scan3A_61 = arith.constant 1 : i32
      scf.for %scan3A_99 = %scan3A_58 to %scan3A_60 step %scan3A_61  : i32 {
        %mul3A_100 = arith.constant 128 : i32
        %mul3A_101 = arith.muli %scan3A_99, %mul3A_100 : i32
        %add3A_102 = arith.constant 0 : i32
        %add3A_103 = arith.addi %mul3A_101, %add3A_102 : i32
        %get3A = arith.constant 0 : i32
        %get3A_104 = arith.index_cast %get3A : i32 to index
        %get3A_105 = arith.index_cast %add3A_103 : i32 to index
        %get3A_106 = tpu.vector_load %arg10[%get3A_104, %get3A_105] {strides = array<i32>} : memref<1x4096xi32, #tpu.memory_space<vmem>>, vector<16xi32>,
        %gather3A = tpu.vector_load_idx %arg7[%broadcast_in_dim3A_1, %broadcast_in_dim3A_1, %get3A_106] : memref<1x1x100001xf32, #tpu.memory_space<vmem>>[vector<16xi32>, vector<16xi32>, vector<16xi32>], vector<16xf32>,
        %add3A_107 = arith.constant 4096 : i32
        %add3A_108 = arith.addi %add3A_107, %add3A_103 : i32
        %swap3A = arith.constant 0 : i32
        %swap3A_109 = arith.index_cast %swap3A : i32 to index
        %swap3A_110 = arith.index_cast %add3A_108 : i32 to index
        %swap3A_111 = tpu.vector_load %arg8[%swap3A_109, %swap3A_110] {strides = array<i32>} : memref<1x16384xf32, #tpu.memory_space<vmem>>, vector<16xf32>,
        tpu.vector_store %arg8[%swap3A_109, %swap3A_110], %gather3A {strides = array<i32>} : memref<1x16384xf32, #tpu.memory_space<vmem>>, vector<16xf32>,
        %mul3A_112 = arith.constant 128 : i32
        %mul3A_113 = arith.muli %scan3A_99, %mul3A_112 : i32
        %add3A_114 = arith.constant 16 : i32
        %add3A_115 = arith.addi %mul3A_113, %add3A_114 : i32
        %get3A_116 = arith.constant 0 : i32
        %get3A_117 = arith.index_cast %get3A_116 : i32 to index
        %get3A_118 = arith.index_cast %add3A_115 : i32 to index
        %get3A_119 = tpu.vector_load %arg10[%get3A_117, %get3A_118] {strides = array<i32>} : memref<1x4096xi32, #tpu.memory_space<vmem>>, vector<16xi32>,
        %gather3A_120 = tpu.vector_load_idx %arg7[%broadcast_in_dim3A_1, %broadcast_in_dim3A_1, %get3A_119] : memref<1x1x100001xf32, #tpu.memory_space<vmem>>[vector<16xi32>, vector<16xi32>, vector<16xi32>], vector<16xf32>,
        %add3A_121 = arith.constant 4096 : i32
        %add3A_122 = arith.addi %add3A_121, %add3A_115 : i32
        %swap3A_123 = arith.constant 0 : i32
        %swap3A_124 = arith.index_cast %swap3A_123 : i32 to index
        %swap3A_125 = arith.index_cast %add3A_122 : i32 to index
        %swap3A_126 = tpu.vector_load %arg8[%swap3A_124, %swap3A_125] {strides = array<i32>} : memref<1x16384xf32, #tpu.memory_space<vmem>>, vector<16xf32>,
        tpu.vector_store %arg8[%swap3A_124, %swap3A_125], %gather3A_120 {strides = array<i32>} : memref<1x16384xf32, #tpu.memory_space<vmem>>, vector<16xf32>,
        %mul3A_127 = arith.constant 128 : i32
        %mul3A_128 = arith.muli %scan3A_99, %mul3A_127 : i32
        %add3A_129 = arith.constant 32 : i32
        %add3A_130 = arith.addi %mul3A_128, %add3A_129 : i32
        %get3A_131 = arith.constant 0 : i32
        %get3A_132 = arith.index_cast %get3A_131 : i32 to index
        %get3A_133 = arith.index_cast %add3A_130 : i32 to index
        %get3A_134 = tpu.vector_load %arg10[%get3A_132, %get3A_133] {strides = array<i32>} : memref<1x4096xi32, #tpu.memory_space<vmem>>, vector<16xi32>,
        %gather3A_135 = tpu.vector_load_idx %arg7[%broadcast_in_dim3A_1, %broadcast_in_dim3A_1, %get3A_134] : memref<1x1x100001xf32, #tpu.memory_space<vmem>>[vector<16xi32>, vector<16xi32>, vector<16xi32>], vector<16xf32>,
        %add3A_136 = arith.constant 4096 : i32
        %add3A_137 = arith.addi %add3A_136, %add3A_130 : i32
        %swap3A_138 = arith.constant 0 : i32
        %swap3A_139 = arith.index_cast %swap3A_138 : i32 to index
        %swap3A_140 = arith.index_cast %add3A_137 : i32 to index
        %swap3A_141 = tpu.vector_load %arg8[%swap3A_139, %swap3A_140] {strides = array<i32>} : memref<1x16384xf32, #tpu.memory_space<vmem>>, vector<16xf32>,
        tpu.vector_store %arg8[%swap3A_139, %swap3A_140], %gather3A_135 {strides = array<i32>} : memref<1x16384xf32, #tpu.memory_space<vmem>>, vector<16xf32>,
        %mul3A_142 = arith.constant 128 : i32
        %mul3A_143 = arith.muli %scan3A_99, %mul3A_142 : i32
        %add3A_144 = arith.constant 48 : i32
        %add3A_145 = arith.addi %mul3A_143, %add3A_144 : i32
        %get3A_146 = arith.constant 0 : i32
        %get3A_147 = arith.index_cast %get3A_146 : i32 to index
        %get3A_148 = arith.index_cast %add3A_145 : i32 to index
        %get3A_149 = tpu.vector_load %arg10[%get3A_147, %get3A_148] {strides = array<i32>} : memref<1x4096xi32, #tpu.memory_space<vmem>>, vector<16xi32>,
        %gather3A_150 = tpu.vector_load_idx %arg7[%broadcast_in_dim3A_1, %broadcast_in_dim3A_1, %get3A_149] : memref<1x1x100001xf32, #tpu.memory_space<vmem>>[vector<16xi32>, vector<16xi32>, vector<16xi32>], vector<16xf32>,
        %add3A_151 = arith.constant 4096 : i32
        %add3A_152 = arith.addi %add3A_151, %add3A_145 : i32
        %swap3A_153 = arith.constant 0 : i32
        %swap3A_154 = arith.index_cast %swap3A_153 : i32 to index
        %swap3A_155 = arith.index_cast %add3A_152 : i32 to index
        %swap3A_156 = tpu.vector_load %arg8[%swap3A_154, %swap3A_155] {strides = array<i32>} : memref<1x16384xf32, #tpu.memory_space<vmem>>, vector<16xf32>,
        tpu.vector_store %arg8[%swap3A_154, %swap3A_155], %gather3A_150 {strides = array<i32>} : memref<1x16384xf32, #tpu.memory_space<vmem>>, vector<16xf32>,
        %mul3A_157 = arith.constant 128 : i32
        %mul3A_158 = arith.muli %scan3A_99, %mul3A_157 : i32
        %add3A_159 = arith.constant 64 : i32
        %add3A_160 = arith.addi %mul3A_158, %add3A_159 : i32
        %get3A_161 = arith.constant 0 : i32
        %get3A_162 = arith.index_cast %get3A_161 : i32 to index
        %get3A_163 = arith.index_cast %add3A_160 : i32 to index
        %get3A_164 = tpu.vector_load %arg10[%get3A_162, %get3A_163] {strides = array<i32>} : memref<1x4096xi32, #tpu.memory_space<vmem>>, vector<16xi32>,
        %gather3A_165 = tpu.vector_load_idx %arg7[%broadcast_in_dim3A_1, %broadcast_in_dim3A_1, %get3A_164] : memref<1x1x100001xf32, #tpu.memory_space<vmem>>[vector<16xi32>, vector<16xi32>, vector<16xi32>], vector<16xf32>,
        %add3A_166 = arith.constant 4096 : i32
        %add3A_167 = arith.addi %add3A_166, %add3A_160 : i32
        %swap3A_168 = arith.constant 0 : i32
        %swap3A_169 = arith.index_cast %swap3A_168 : i32 to index
        %swap3A_170 = arith.index_cast %add3A_167 : i32 to index
        %swap3A_171 = tpu.vector_load %arg8[%swap3A_169, %swap3A_170] {strides = array<i32>} : memref<1x16384xf32, #tpu.memory_space<vmem>>, vector<16xf32>,
        tpu.vector_store %arg8[%swap3A_169, %swap3A_170], %gather3A_165 {strides = array<i32>} : memref<1x16384xf32, #tpu.memory_space<vmem>>, vector<16xf32>,
        %mul3A_172 = arith.constant 128 : i32
        %mul3A_173 = arith.muli %scan3A_99, %mul3A_172 : i32
        %add3A_174 = arith.constant 80 : i32
        %add3A_175 = arith.addi %mul3A_173, %add3A_174 : i32
        %get3A_176 = arith.constant 0 : i32
        %get3A_177 = arith.index_cast %get3A_176 : i32 to index
        %get3A_178 = arith.index_cast %add3A_175 : i32 to index
        %get3A_179 = tpu.vector_load %arg10[%get3A_177, %get3A_178] {strides = array<i32>} : memref<1x4096xi32, #tpu.memory_space<vmem>>, vector<16xi32>,
        %gather3A_180 = tpu.vector_load_idx %arg7[%broadcast_in_dim3A_1, %broadcast_in_dim3A_1, %get3A_179] : memref<1x1x100001xf32, #tpu.memory_space<vmem>>[vector<16xi32>, vector<16xi32>, vector<16xi32>], vector<16xf32>,
        %add3A_181 = arith.constant 4096 : i32
        %add3A_182 = arith.addi %add3A_181, %add3A_175 : i32
        %swap3A_183 = arith.constant 0 : i32
        %swap3A_184 = arith.index_cast %swap3A_183 : i32 to index
        %swap3A_185 = arith.index_cast %add3A_182 : i32 to index
        %swap3A_186 = tpu.vector_load %arg8[%swap3A_184, %swap3A_185] {strides = array<i32>} : memref<1x16384xf32, #tpu.memory_space<vmem>>, vector<16xf32>,
        tpu.vector_store %arg8[%swap3A_184, %swap3A_185], %gather3A_180 {strides = array<i32>} : memref<1x16384xf32, #tpu.memory_space<vmem>>, vector<16xf32>,
        %mul3A_187 = arith.constant 128 : i32
        %mul3A_188 = arith.muli %scan3A_99, %mul3A_187 : i32
        %add3A_189 = arith.constant 96 : i32
        %add3A_190 = arith.addi %mul3A_188, %add3A_189 : i32
        %get3A_191 = arith.constant 0 : i32
        %get3A_192 = arith.index_cast %get3A_191 : i32 to index
        %get3A_193 = arith.index_cast %add3A_190 : i32 to index
        %get3A_194 = tpu.vector_load %arg10[%get3A_192, %get3A_193] {strides = array<i32>} : memref<1x4096xi32, #tpu.memory_space<vmem>>, vector<16xi32>,
        %gather3A_195 = tpu.vector_load_idx %arg7[%broadcast_in_dim3A_1, %broadcast_in_dim3A_1, %get3A_194] : memref<1x1x100001xf32, #tpu.memory_space<vmem>>[vector<16xi32>, vector<16xi32>, vector<16xi32>], vector<16xf32>,
        %add3A_196 = arith.constant 4096 : i32
        %add3A_197 = arith.addi %add3A_196, %add3A_190 : i32
        %swap3A_198 = arith.constant 0 : i32
        %swap3A_199 = arith.index_cast %swap3A_198 : i32 to index
        %swap3A_200 = arith.index_cast %add3A_197 : i32 to index
        %swap3A_201 = tpu.vector_load %arg8[%swap3A_199, %swap3A_200] {strides = array<i32>} : memref<1x16384xf32, #tpu.memory_space<vmem>>, vector<16xf32>,
        tpu.vector_store %arg8[%swap3A_199, %swap3A_200], %gather3A_195 {strides = array<i32>} : memref<1x16384xf32, #tpu.memory_space<vmem>>, vector<16xf32>,
        %mul3A_202 = arith.constant 128 : i32
        %mul3A_203 = arith.muli %scan3A_99, %mul3A_202 : i32
        %add3A_204 = arith.constant 112 : i32
        %add3A_205 = arith.addi %mul3A_203, %add3A_204 : i32
        %get3A_206 = arith.constant 0 : i32
        %get3A_207 = arith.index_cast %get3A_206 : i32 to index
        %get3A_208 = arith.index_cast %add3A_205 : i32 to index
        %get3A_209 = tpu.vector_load %arg10[%get3A_207, %get3A_208] {strides = array<i32>} : memref<1x4096xi32, #tpu.memory_space<vmem>>, vector<16xi32>,
        %gather3A_210 = tpu.vector_load_idx %arg7[%broadcast_in_dim3A_1, %broadcast_in_dim3A_1, %get3A_209] : memref<1x1x100001xf32, #tpu.memory_space<vmem>>[vector<16xi32>, vector<16xi32>, vector<16xi32>], vector<16xf32>,
        %add3A_211 = arith.constant 4096 : i32
        %add3A_212 = arith.addi %add3A_211, %add3A_205 : i32
        %swap3A_213 = arith.constant 0 : i32
        %swap3A_214 = arith.index_cast %swap3A_213 : i32 to index
        %swap3A_215 = arith.index_cast %add3A_212 : i32 to index
        %swap3A_216 = tpu.vector_load %arg8[%swap3A_214, %swap3A_215] {strides = array<i32>} : memref<1x16384xf32, #tpu.memory_space<vmem>>, vector<16xf32>,
        tpu.vector_store %arg8[%swap3A_214, %swap3A_215], %gather3A_210 {strides = array<i32>} : memref<1x16384xf32, #tpu.memory_space<vmem>>, vector<16xf32>,
      }
      %scan3A_62 = arith.constant 32 : i32
      %dma_start3A_63 = arith.constant 0 : i32
      %dma_start3A_64 = arith.constant 12288 : i32
      %dma_start3A_65 = tpu.memref_slice %arg4[%dma_start3A_63, %dma_start3A_64] : memref<26x16384xi32, #tpu.memory_space<hbm>> -> memref<1x4096xi32, #tpu.memory_space<hbm>>
      %dma_start3A_66 = arith.constant 0 : i32
      %dma_start3A_67 = arith.constant 12288 : i32
      %dma_start3A_68 = tpu.memref_slice %arg4[%dma_start3A_66, %dma_start3A_67] : memref<26x16384xi32, #tpu.memory_space<hbm>> -> memref<1x4096xi32, #tpu.memory_space<hbm>>
      tpu.enqueue_dma source(%dma_start3A_68 : memref<1x4096xi32, #tpu.memory_space<hbm>>) target(%arg10 : memref<1x4096xi32, #tpu.memory_space<vmem>>) target_semaphore(%arg14 : memref<!tpu.dma_semaphore, #tpu.memory_space<semaphore_mem>>)
      %dma_wait3A_69 = arith.constant 0 : i32
      %dma_wait3A_70 = arith.constant 8192 : i32
      %dma_wait3A_71 = tpu.memref_slice %arg4[%dma_wait3A_69, %dma_wait3A_70] : memref<26x16384xi32, #tpu.memory_space<hbm>> -> memref<1x4096xi32, #tpu.memory_space<hbm>>
      %dma_wait3A_72 = arith.constant 0 : i32
      %dma_wait3A_73 = arith.constant 8192 : i32
      %dma_wait3A_74 = tpu.memref_slice %arg4[%dma_wait3A_72, %dma_wait3A_73] : memref<26x16384xi32, #tpu.memory_space<hbm>> -> memref<1x4096xi32, #tpu.memory_space<hbm>>
      tpu.wait_dma2 semaphore(%arg13 : memref<!tpu.dma_semaphore, #tpu.memory_space<semaphore_mem>>) src(%dma_wait3A_74 : memref<1x4096xi32, #tpu.memory_space<hbm>>) dst(%arg9 : memref<1x4096xi32, #tpu.memory_space<vmem>>)
      %scan3A_75 = arith.constant 0 : i32
      %scan3A_76 = arith.constant 0 : i32
      %scan3A_77 = arith.constant 32 : i32
      %scan3A_78 = arith.addi %scan3A_76, %scan3A_77 : i32
      %scan3A_79 = arith.constant 1 : i32
      scf.for %scan3A_99 = %scan3A_76 to %scan3A_78 step %scan3A_79  : i32 {
        %mul3A_100 = arith.constant 128 : i32
        %mul3A_101 = arith.muli %scan3A_99, %mul3A_100 : i32
        %add3A_102 = arith.constant 0 : i32
        %add3A_103 = arith.addi %mul3A_101, %add3A_102 : i32
        %get3A = arith.constant 0 : i32
        %get3A_104 = arith.index_cast %get3A : i32 to index
        %get3A_105 = arith.index_cast %add3A_103 : i32 to index
        %get3A_106 = tpu.vector_load %arg9[%get3A_104, %get3A_105] {strides = array<i32>} : memref<1x4096xi32, #tpu.memory_space<vmem>>, vector<16xi32>,
        %gather3A = tpu.vector_load_idx %arg7[%broadcast_in_dim3A_1, %broadcast_in_dim3A_1, %get3A_106] : memref<1x1x100001xf32, #tpu.memory_space<vmem>>[vector<16xi32>, vector<16xi32>, vector<16xi32>], vector<16xf32>,
        %add3A_107 = arith.constant 8192 : i32
        %add3A_108 = arith.addi %add3A_107, %add3A_103 : i32
        %swap3A = arith.constant 0 : i32
        %swap3A_109 = arith.index_cast %swap3A : i32 to index
        %swap3A_110 = arith.index_cast %add3A_108 : i32 to index
        %swap3A_111 = tpu.vector_load %arg8[%swap3A_109, %swap3A_110] {strides = array<i32>} : memref<1x16384xf32, #tpu.memory_space<vmem>>, vector<16xf32>,
        tpu.vector_store %arg8[%swap3A_109, %swap3A_110], %gather3A {strides = array<i32>} : memref<1x16384xf32, #tpu.memory_space<vmem>>, vector<16xf32>,
        %mul3A_112 = arith.constant 128 : i32
        %mul3A_113 = arith.muli %scan3A_99, %mul3A_112 : i32
        %add3A_114 = arith.constant 16 : i32
        %add3A_115 = arith.addi %mul3A_113, %add3A_114 : i32
        %get3A_116 = arith.constant 0 : i32
        %get3A_117 = arith.index_cast %get3A_116 : i32 to index
        %get3A_118 = arith.index_cast %add3A_115 : i32 to index
        %get3A_119 = tpu.vector_load %arg9[%get3A_117, %get3A_118] {strides = array<i32>} : memref<1x4096xi32, #tpu.memory_space<vmem>>, vector<16xi32>,
        %gather3A_120 = tpu.vector_load_idx %arg7[%broadcast_in_dim3A_1, %broadcast_in_dim3A_1, %get3A_119] : memref<1x1x100001xf32, #tpu.memory_space<vmem>>[vector<16xi32>, vector<16xi32>, vector<16xi32>], vector<16xf32>,
        %add3A_121 = arith.constant 8192 : i32
        %add3A_122 = arith.addi %add3A_121, %add3A_115 : i32
        %swap3A_123 = arith.constant 0 : i32
        %swap3A_124 = arith.index_cast %swap3A_123 : i32 to index
        %swap3A_125 = arith.index_cast %add3A_122 : i32 to index
        %swap3A_126 = tpu.vector_load %arg8[%swap3A_124, %swap3A_125] {strides = array<i32>} : memref<1x16384xf32, #tpu.memory_space<vmem>>, vector<16xf32>,
        tpu.vector_store %arg8[%swap3A_124, %swap3A_125], %gather3A_120 {strides = array<i32>} : memref<1x16384xf32, #tpu.memory_space<vmem>>, vector<16xf32>,
        %mul3A_127 = arith.constant 128 : i32
        %mul3A_128 = arith.muli %scan3A_99, %mul3A_127 : i32
        %add3A_129 = arith.constant 32 : i32
        %add3A_130 = arith.addi %mul3A_128, %add3A_129 : i32
        %get3A_131 = arith.constant 0 : i32
        %get3A_132 = arith.index_cast %get3A_131 : i32 to index
        %get3A_133 = arith.index_cast %add3A_130 : i32 to index
        %get3A_134 = tpu.vector_load %arg9[%get3A_132, %get3A_133] {strides = array<i32>} : memref<1x4096xi32, #tpu.memory_space<vmem>>, vector<16xi32>,
        %gather3A_135 = tpu.vector_load_idx %arg7[%broadcast_in_dim3A_1, %broadcast_in_dim3A_1, %get3A_134] : memref<1x1x100001xf32, #tpu.memory_space<vmem>>[vector<16xi32>, vector<16xi32>, vector<16xi32>], vector<16xf32>,
        %add3A_136 = arith.constant 8192 : i32
        %add3A_137 = arith.addi %add3A_136, %add3A_130 : i32
        %swap3A_138 = arith.constant 0 : i32
        %swap3A_139 = arith.index_cast %swap3A_138 : i32 to index
        %swap3A_140 = arith.index_cast %add3A_137 : i32 to index
        %swap3A_141 = tpu.vector_load %arg8[%swap3A_139, %swap3A_140] {strides = array<i32>} : memref<1x16384xf32, #tpu.memory_space<vmem>>, vector<16xf32>,
        tpu.vector_store %arg8[%swap3A_139, %swap3A_140], %gather3A_135 {strides = array<i32>} : memref<1x16384xf32, #tpu.memory_space<vmem>>, vector<16xf32>,
        %mul3A_142 = arith.constant 128 : i32
        %mul3A_143 = arith.muli %scan3A_99, %mul3A_142 : i32
        %add3A_144 = arith.constant 48 : i32
        %add3A_145 = arith.addi %mul3A_143, %add3A_144 : i32
        %get3A_146 = arith.constant 0 : i32
        %get3A_147 = arith.index_cast %get3A_146 : i32 to index
        %get3A_148 = arith.index_cast %add3A_145 : i32 to index
        %get3A_149 = tpu.vector_load %arg9[%get3A_147, %get3A_148] {strides = array<i32>} : memref<1x4096xi32, #tpu.memory_space<vmem>>, vector<16xi32>,
        %gather3A_150 = tpu.vector_load_idx %arg7[%broadcast_in_dim3A_1, %broadcast_in_dim3A_1, %get3A_149] : memref<1x1x100001xf32, #tpu.memory_space<vmem>>[vector<16xi32>, vector<16xi32>, vector<16xi32>], vector<16xf32>,
        %add3A_151 = arith.constant 8192 : i32
        %add3A_152 = arith.addi %add3A_151, %add3A_145 : i32
        %swap3A_153 = arith.constant 0 : i32
        %swap3A_154 = arith.index_cast %swap3A_153 : i32 to index
        %swap3A_155 = arith.index_cast %add3A_152 : i32 to index
        %swap3A_156 = tpu.vector_load %arg8[%swap3A_154, %swap3A_155] {strides = array<i32>} : memref<1x16384xf32, #tpu.memory_space<vmem>>, vector<16xf32>,
        tpu.vector_store %arg8[%swap3A_154, %swap3A_155], %gather3A_150 {strides = array<i32>} : memref<1x16384xf32, #tpu.memory_space<vmem>>, vector<16xf32>,
        %mul3A_157 = arith.constant 128 : i32
        %mul3A_158 = arith.muli %scan3A_99, %mul3A_157 : i32
        %add3A_159 = arith.constant 64 : i32
        %add3A_160 = arith.addi %mul3A_158, %add3A_159 : i32
        %get3A_161 = arith.constant 0 : i32
        %get3A_162 = arith.index_cast %get3A_161 : i32 to index
        %get3A_163 = arith.index_cast %add3A_160 : i32 to index
        %get3A_164 = tpu.vector_load %arg9[%get3A_162, %get3A_163] {strides = array<i32>} : memref<1x4096xi32, #tpu.memory_space<vmem>>, vector<16xi32>,
        %gather3A_165 = tpu.vector_load_idx %arg7[%broadcast_in_dim3A_1, %broadcast_in_dim3A_1, %get3A_164] : memref<1x1x100001xf32, #tpu.memory_space<vmem>>[vector<16xi32>, vector<16xi32>, vector<16xi32>], vector<16xf32>,
        %add3A_166 = arith.constant 8192 : i32
        %add3A_167 = arith.addi %add3A_166, %add3A_160 : i32
        %swap3A_168 = arith.constant 0 : i32
        %swap3A_169 = arith.index_cast %swap3A_168 : i32 to index
        %swap3A_170 = arith.index_cast %add3A_167 : i32 to index
        %swap3A_171 = tpu.vector_load %arg8[%swap3A_169, %swap3A_170] {strides = array<i32>} : memref<1x16384xf32, #tpu.memory_space<vmem>>, vector<16xf32>,
        tpu.vector_store %arg8[%swap3A_169, %swap3A_170], %gather3A_165 {strides = array<i32>} : memref<1x16384xf32, #tpu.memory_space<vmem>>, vector<16xf32>,
        %mul3A_172 = arith.constant 128 : i32
        %mul3A_173 = arith.muli %scan3A_99, %mul3A_172 : i32
        %add3A_174 = arith.constant 80 : i32
        %add3A_175 = arith.addi %mul3A_173, %add3A_174 : i32
        %get3A_176 = arith.constant 0 : i32
        %get3A_177 = arith.index_cast %get3A_176 : i32 to index
        %get3A_178 = arith.index_cast %add3A_175 : i32 to index
        %get3A_179 = tpu.vector_load %arg9[%get3A_177, %get3A_178] {strides = array<i32>} : memref<1x4096xi32, #tpu.memory_space<vmem>>, vector<16xi32>,
        %gather3A_180 = tpu.vector_load_idx %arg7[%broadcast_in_dim3A_1, %broadcast_in_dim3A_1, %get3A_179] : memref<1x1x100001xf32, #tpu.memory_space<vmem>>[vector<16xi32>, vector<16xi32>, vector<16xi32>], vector<16xf32>,
        %add3A_181 = arith.constant 8192 : i32
        %add3A_182 = arith.addi %add3A_181, %add3A_175 : i32
        %swap3A_183 = arith.constant 0 : i32
        %swap3A_184 = arith.index_cast %swap3A_183 : i32 to index
        %swap3A_185 = arith.index_cast %add3A_182 : i32 to index
        %swap3A_186 = tpu.vector_load %arg8[%swap3A_184, %swap3A_185] {strides = array<i32>} : memref<1x16384xf32, #tpu.memory_space<vmem>>, vector<16xf32>,
        tpu.vector_store %arg8[%swap3A_184, %swap3A_185], %gather3A_180 {strides = array<i32>} : memref<1x16384xf32, #tpu.memory_space<vmem>>, vector<16xf32>,
        %mul3A_187 = arith.constant 128 : i32
        %mul3A_188 = arith.muli %scan3A_99, %mul3A_187 : i32
        %add3A_189 = arith.constant 96 : i32
        %add3A_190 = arith.addi %mul3A_188, %add3A_189 : i32
        %get3A_191 = arith.constant 0 : i32
        %get3A_192 = arith.index_cast %get3A_191 : i32 to index
        %get3A_193 = arith.index_cast %add3A_190 : i32 to index
        %get3A_194 = tpu.vector_load %arg9[%get3A_192, %get3A_193] {strides = array<i32>} : memref<1x4096xi32, #tpu.memory_space<vmem>>, vector<16xi32>,
        %gather3A_195 = tpu.vector_load_idx %arg7[%broadcast_in_dim3A_1, %broadcast_in_dim3A_1, %get3A_194] : memref<1x1x100001xf32, #tpu.memory_space<vmem>>[vector<16xi32>, vector<16xi32>, vector<16xi32>], vector<16xf32>,
        %add3A_196 = arith.constant 8192 : i32
        %add3A_197 = arith.addi %add3A_196, %add3A_190 : i32
        %swap3A_198 = arith.constant 0 : i32
        %swap3A_199 = arith.index_cast %swap3A_198 : i32 to index
        %swap3A_200 = arith.index_cast %add3A_197 : i32 to index
        %swap3A_201 = tpu.vector_load %arg8[%swap3A_199, %swap3A_200] {strides = array<i32>} : memref<1x16384xf32, #tpu.memory_space<vmem>>, vector<16xf32>,
        tpu.vector_store %arg8[%swap3A_199, %swap3A_200], %gather3A_195 {strides = array<i32>} : memref<1x16384xf32, #tpu.memory_space<vmem>>, vector<16xf32>,
        %mul3A_202 = arith.constant 128 : i32
        %mul3A_203 = arith.muli %scan3A_99, %mul3A_202 : i32
        %add3A_204 = arith.constant 112 : i32
        %add3A_205 = arith.addi %mul3A_203, %add3A_204 : i32
        %get3A_206 = arith.constant 0 : i32
        %get3A_207 = arith.index_cast %get3A_206 : i32 to index
        %get3A_208 = arith.index_cast %add3A_205 : i32 to index
        %get3A_209 = tpu.vector_load %arg9[%get3A_207, %get3A_208] {strides = array<i32>} : memref<1x4096xi32, #tpu.memory_space<vmem>>, vector<16xi32>,
        %gather3A_210 = tpu.vector_load_idx %arg7[%broadcast_in_dim3A_1, %broadcast_in_dim3A_1, %get3A_209] : memref<1x1x100001xf32, #tpu.memory_space<vmem>>[vector<16xi32>, vector<16xi32>, vector<16xi32>], vector<16xf32>,
        %add3A_211 = arith.constant 8192 : i32
        %add3A_212 = arith.addi %add3A_211, %add3A_205 : i32
        %swap3A_213 = arith.constant 0 : i32
        %swap3A_214 = arith.index_cast %swap3A_213 : i32 to index
        %swap3A_215 = arith.index_cast %add3A_212 : i32 to index
        %swap3A_216 = tpu.vector_load %arg8[%swap3A_214, %swap3A_215] {strides = array<i32>} : memref<1x16384xf32, #tpu.memory_space<vmem>>, vector<16xf32>,
        tpu.vector_store %arg8[%swap3A_214, %swap3A_215], %gather3A_210 {strides = array<i32>} : memref<1x16384xf32, #tpu.memory_space<vmem>>, vector<16xf32>,
      }
      %scan3A_80 = arith.constant 32 : i32
      %dma_wait3A_81 = arith.constant 0 : i32
      %dma_wait3A_82 = arith.constant 12288 : i32
      %dma_wait3A_83 = tpu.memref_slice %arg4[%dma_wait3A_81, %dma_wait3A_82] : memref<26x16384xi32, #tpu.memory_space<hbm>> -> memref<1x4096xi32, #tpu.memory_space<hbm>>
      %dma_wait3A_84 = arith.constant 0 : i32
      %dma_wait3A_85 = arith.constant 12288 : i32
      %dma_wait3A_86 = tpu.memref_slice %arg4[%dma_wait3A_84, %dma_wait3A_85] : memref<26x16384xi32, #tpu.memory_space<hbm>> -> memref<1x4096xi32, #tpu.memory_space<hbm>>
      tpu.wait_dma2 semaphore(%arg14 : memref<!tpu.dma_semaphore, #tpu.memory_space<semaphore_mem>>) src(%dma_wait3A_86 : memref<1x4096xi32, #tpu.memory_space<hbm>>) dst(%arg10 : memref<1x4096xi32, #tpu.memory_space<vmem>>)
      %scan3A_87 = arith.constant 0 : i32
      %scan3A_88 = arith.constant 0 : i32
      %scan3A_89 = arith.constant 32 : i32
      %scan3A_90 = arith.addi %scan3A_88, %scan3A_89 : i32
      %scan3A_91 = arith.constant 1 : i32
      scf.for %scan3A_99 = %scan3A_88 to %scan3A_90 step %scan3A_91  : i32 {
        %mul3A_100 = arith.constant 128 : i32
        %mul3A_101 = arith.muli %scan3A_99, %mul3A_100 : i32
        %add3A_102 = arith.constant 0 : i32
        %add3A_103 = arith.addi %mul3A_101, %add3A_102 : i32
        %get3A = arith.constant 0 : i32
        %get3A_104 = arith.index_cast %get3A : i32 to index
        %get3A_105 = arith.index_cast %add3A_103 : i32 to index
        %get3A_106 = tpu.vector_load %arg10[%get3A_104, %get3A_105] {strides = array<i32>} : memref<1x4096xi32, #tpu.memory_space<vmem>>, vector<16xi32>,
        %gather3A = tpu.vector_load_idx %arg7[%broadcast_in_dim3A_1, %broadcast_in_dim3A_1, %get3A_106] : memref<1x1x100001xf32, #tpu.memory_space<vmem>>[vector<16xi32>, vector<16xi32>, vector<16xi32>], vector<16xf32>,
        %add3A_107 = arith.constant 12288 : i32
        %add3A_108 = arith.addi %add3A_107, %add3A_103 : i32
        %swap3A = arith.constant 0 : i32
        %swap3A_109 = arith.index_cast %swap3A : i32 to index
        %swap3A_110 = arith.index_cast %add3A_108 : i32 to index
        %swap3A_111 = tpu.vector_load %arg8[%swap3A_109, %swap3A_110] {strides = array<i32>} : memref<1x16384xf32, #tpu.memory_space<vmem>>, vector<16xf32>,
        tpu.vector_store %arg8[%swap3A_109, %swap3A_110], %gather3A {strides = array<i32>} : memref<1x16384xf32, #tpu.memory_space<vmem>>, vector<16xf32>,
        %mul3A_112 = arith.constant 128 : i32
        %mul3A_113 = arith.muli %scan3A_99, %mul3A_112 : i32
        %add3A_114 = arith.constant 16 : i32
        %add3A_115 = arith.addi %mul3A_113, %add3A_114 : i32
        %get3A_116 = arith.constant 0 : i32
        %get3A_117 = arith.index_cast %get3A_116 : i32 to index
        %get3A_118 = arith.index_cast %add3A_115 : i32 to index
        %get3A_119 = tpu.vector_load %arg10[%get3A_117, %get3A_118] {strides = array<i32>} : memref<1x4096xi32, #tpu.memory_space<vmem>>, vector<16xi32>,
        %gather3A_120 = tpu.vector_load_idx %arg7[%broadcast_in_dim3A_1, %broadcast_in_dim3A_1, %get3A_119] : memref<1x1x100001xf32, #tpu.memory_space<vmem>>[vector<16xi32>, vector<16xi32>, vector<16xi32>], vector<16xf32>,
        %add3A_121 = arith.constant 12288 : i32
        %add3A_122 = arith.addi %add3A_121, %add3A_115 : i32
        %swap3A_123 = arith.constant 0 : i32
        %swap3A_124 = arith.index_cast %swap3A_123 : i32 to index
        %swap3A_125 = arith.index_cast %add3A_122 : i32 to index
        %swap3A_126 = tpu.vector_load %arg8[%swap3A_124, %swap3A_125] {strides = array<i32>} : memref<1x16384xf32, #tpu.memory_space<vmem>>, vector<16xf32>,
        tpu.vector_store %arg8[%swap3A_124, %swap3A_125], %gather3A_120 {strides = array<i32>} : memref<1x16384xf32, #tpu.memory_space<vmem>>, vector<16xf32>,
        %mul3A_127 = arith.constant 128 : i32
        %mul3A_128 = arith.muli %scan3A_99, %mul3A_127 : i32
        %add3A_129 = arith.constant 32 : i32
        %add3A_130 = arith.addi %mul3A_128, %add3A_129 : i32
        %get3A_131 = arith.constant 0 : i32
        %get3A_132 = arith.index_cast %get3A_131 : i32 to index
        %get3A_133 = arith.index_cast %add3A_130 : i32 to index
        %get3A_134 = tpu.vector_load %arg10[%get3A_132, %get3A_133] {strides = array<i32>} : memref<1x4096xi32, #tpu.memory_space<vmem>>, vector<16xi32>,
        %gather3A_135 = tpu.vector_load_idx %arg7[%broadcast_in_dim3A_1, %broadcast_in_dim3A_1, %get3A_134] : memref<1x1x100001xf32, #tpu.memory_space<vmem>>[vector<16xi32>, vector<16xi32>, vector<16xi32>], vector<16xf32>,
        %add3A_136 = arith.constant 12288 : i32
        %add3A_137 = arith.addi %add3A_136, %add3A_130 : i32
        %swap3A_138 = arith.constant 0 : i32
        %swap3A_139 = arith.index_cast %swap3A_138 : i32 to index
        %swap3A_140 = arith.index_cast %add3A_137 : i32 to index
        %swap3A_141 = tpu.vector_load %arg8[%swap3A_139, %swap3A_140] {strides = array<i32>} : memref<1x16384xf32, #tpu.memory_space<vmem>>, vector<16xf32>,
        tpu.vector_store %arg8[%swap3A_139, %swap3A_140], %gather3A_135 {strides = array<i32>} : memref<1x16384xf32, #tpu.memory_space<vmem>>, vector<16xf32>,
        %mul3A_142 = arith.constant 128 : i32
        %mul3A_143 = arith.muli %scan3A_99, %mul3A_142 : i32
        %add3A_144 = arith.constant 48 : i32
        %add3A_145 = arith.addi %mul3A_143, %add3A_144 : i32
        %get3A_146 = arith.constant 0 : i32
        %get3A_147 = arith.index_cast %get3A_146 : i32 to index
        %get3A_148 = arith.index_cast %add3A_145 : i32 to index
        %get3A_149 = tpu.vector_load %arg10[%get3A_147, %get3A_148] {strides = array<i32>} : memref<1x4096xi32, #tpu.memory_space<vmem>>, vector<16xi32>,
        %gather3A_150 = tpu.vector_load_idx %arg7[%broadcast_in_dim3A_1, %broadcast_in_dim3A_1, %get3A_149] : memref<1x1x100001xf32, #tpu.memory_space<vmem>>[vector<16xi32>, vector<16xi32>, vector<16xi32>], vector<16xf32>,
        %add3A_151 = arith.constant 12288 : i32
        %add3A_152 = arith.addi %add3A_151, %add3A_145 : i32
        %swap3A_153 = arith.constant 0 : i32
        %swap3A_154 = arith.index_cast %swap3A_153 : i32 to index
        %swap3A_155 = arith.index_cast %add3A_152 : i32 to index
        %swap3A_156 = tpu.vector_load %arg8[%swap3A_154, %swap3A_155] {strides = array<i32>} : memref<1x16384xf32, #tpu.memory_space<vmem>>, vector<16xf32>,
        tpu.vector_store %arg8[%swap3A_154, %swap3A_155], %gather3A_150 {strides = array<i32>} : memref<1x16384xf32, #tpu.memory_space<vmem>>, vector<16xf32>,
        %mul3A_157 = arith.constant 128 : i32
        %mul3A_158 = arith.muli %scan3A_99, %mul3A_157 : i32
        %add3A_159 = arith.constant 64 : i32
        %add3A_160 = arith.addi %mul3A_158, %add3A_159 : i32
        %get3A_161 = arith.constant 0 : i32
        %get3A_162 = arith.index_cast %get3A_161 : i32 to index
        %get3A_163 = arith.index_cast %add3A_160 : i32 to index
        %get3A_164 = tpu.vector_load %arg10[%get3A_162, %get3A_163] {strides = array<i32>} : memref<1x4096xi32, #tpu.memory_space<vmem>>, vector<16xi32>,
        %gather3A_165 = tpu.vector_load_idx %arg7[%broadcast_in_dim3A_1, %broadcast_in_dim3A_1, %get3A_164] : memref<1x1x100001xf32, #tpu.memory_space<vmem>>[vector<16xi32>, vector<16xi32>, vector<16xi32>], vector<16xf32>,
        %add3A_166 = arith.constant 12288 : i32
        %add3A_167 = arith.addi %add3A_166, %add3A_160 : i32
        %swap3A_168 = arith.constant 0 : i32
        %swap3A_169 = arith.index_cast %swap3A_168 : i32 to index
        %swap3A_170 = arith.index_cast %add3A_167 : i32 to index
        %swap3A_171 = tpu.vector_load %arg8[%swap3A_169, %swap3A_170] {strides = array<i32>} : memref<1x16384xf32, #tpu.memory_space<vmem>>, vector<16xf32>,
        tpu.vector_store %arg8[%swap3A_169, %swap3A_170], %gather3A_165 {strides = array<i32>} : memref<1x16384xf32, #tpu.memory_space<vmem>>, vector<16xf32>,
        %mul3A_172 = arith.constant 128 : i32
        %mul3A_173 = arith.muli %scan3A_99, %mul3A_172 : i32
        %add3A_174 = arith.constant 80 : i32
        %add3A_175 = arith.addi %mul3A_173, %add3A_174 : i32
        %get3A_176 = arith.constant 0 : i32
        %get3A_177 = arith.index_cast %get3A_176 : i32 to index
        %get3A_178 = arith.index_cast %add3A_175 : i32 to index
        %get3A_179 = tpu.vector_load %arg10[%get3A_177, %get3A_178] {strides = array<i32>} : memref<1x4096xi32, #tpu.memory_space<vmem>>, vector<16xi32>,
        %gather3A_180 = tpu.vector_load_idx %arg7[%broadcast_in_dim3A_1, %broadcast_in_dim3A_1, %get3A_179] : memref<1x1x100001xf32, #tpu.memory_space<vmem>>[vector<16xi32>, vector<16xi32>, vector<16xi32>], vector<16xf32>,
        %add3A_181 = arith.constant 12288 : i32
        %add3A_182 = arith.addi %add3A_181, %add3A_175 : i32
        %swap3A_183 = arith.constant 0 : i32
        %swap3A_184 = arith.index_cast %swap3A_183 : i32 to index
        %swap3A_185 = arith.index_cast %add3A_182 : i32 to index
        %swap3A_186 = tpu.vector_load %arg8[%swap3A_184, %swap3A_185] {strides = array<i32>} : memref<1x16384xf32, #tpu.memory_space<vmem>>, vector<16xf32>,
        tpu.vector_store %arg8[%swap3A_184, %swap3A_185], %gather3A_180 {strides = array<i32>} : memref<1x16384xf32, #tpu.memory_space<vmem>>, vector<16xf32>,
        %mul3A_187 = arith.constant 128 : i32
        %mul3A_188 = arith.muli %scan3A_99, %mul3A_187 : i32
        %add3A_189 = arith.constant 96 : i32
        %add3A_190 = arith.addi %mul3A_188, %add3A_189 : i32
        %get3A_191 = arith.constant 0 : i32
        %get3A_192 = arith.index_cast %get3A_191 : i32 to index
        %get3A_193 = arith.index_cast %add3A_190 : i32 to index
        %get3A_194 = tpu.vector_load %arg10[%get3A_192, %get3A_193] {strides = array<i32>} : memref<1x4096xi32, #tpu.memory_space<vmem>>, vector<16xi32>,
        %gather3A_195 = tpu.vector_load_idx %arg7[%broadcast_in_dim3A_1, %broadcast_in_dim3A_1, %get3A_194] : memref<1x1x100001xf32, #tpu.memory_space<vmem>>[vector<16xi32>, vector<16xi32>, vector<16xi32>], vector<16xf32>,
        %add3A_196 = arith.constant 12288 : i32
        %add3A_197 = arith.addi %add3A_196, %add3A_190 : i32
        %swap3A_198 = arith.constant 0 : i32
        %swap3A_199 = arith.index_cast %swap3A_198 : i32 to index
        %swap3A_200 = arith.index_cast %add3A_197 : i32 to index
        %swap3A_201 = tpu.vector_load %arg8[%swap3A_199, %swap3A_200] {strides = array<i32>} : memref<1x16384xf32, #tpu.memory_space<vmem>>, vector<16xf32>,
        tpu.vector_store %arg8[%swap3A_199, %swap3A_200], %gather3A_195 {strides = array<i32>} : memref<1x16384xf32, #tpu.memory_space<vmem>>, vector<16xf32>,
        %mul3A_202 = arith.constant 128 : i32
        %mul3A_203 = arith.muli %scan3A_99, %mul3A_202 : i32
        %add3A_204 = arith.constant 112 : i32
        %add3A_205 = arith.addi %mul3A_203, %add3A_204 : i32
        %get3A_206 = arith.constant 0 : i32
        %get3A_207 = arith.index_cast %get3A_206 : i32 to index
        %get3A_208 = arith.index_cast %add3A_205 : i32 to index
        %get3A_209 = tpu.vector_load %arg10[%get3A_207, %get3A_208] {strides = array<i32>} : memref<1x4096xi32, #tpu.memory_space<vmem>>, vector<16xi32>,
        %gather3A_210 = tpu.vector_load_idx %arg7[%broadcast_in_dim3A_1, %broadcast_in_dim3A_1, %get3A_209] : memref<1x1x100001xf32, #tpu.memory_space<vmem>>[vector<16xi32>, vector<16xi32>, vector<16xi32>], vector<16xf32>,
        %add3A_211 = arith.constant 12288 : i32
        %add3A_212 = arith.addi %add3A_211, %add3A_205 : i32
        %swap3A_213 = arith.constant 0 : i32
        %swap3A_214 = arith.index_cast %swap3A_213 : i32 to index
        %swap3A_215 = arith.index_cast %add3A_212 : i32 to index
        %swap3A_216 = tpu.vector_load %arg8[%swap3A_214, %swap3A_215] {strides = array<i32>} : memref<1x16384xf32, #tpu.memory_space<vmem>>, vector<16xf32>,
        tpu.vector_store %arg8[%swap3A_214, %swap3A_215], %gather3A_210 {strides = array<i32>} : memref<1x16384xf32, #tpu.memory_space<vmem>>, vector<16xf32>,
      }
      %scan3A_92 = arith.constant 32 : i32
      %scan3A_93 = arith.constant 0 : i32
      %scan3A_94 = arith.constant 0 : i32
      %scan3A_95 = arith.constant 25 : i32
      %scan3A_96 = arith.addi %scan3A_94, %scan3A_95 : i32
      %scan3A_97 = arith.constant 1 : i32
      scf.for %scan3A_99 = %scan3A_94 to %scan3A_96 step %scan3A_97  : i32 {
        %broadcast_in_dim3A_100 = vector.broadcast %scan3A_99 : i32 to vector<16xi32>
        %iota3A = tpu.iota {dimensions = array<i32: 0>} : vector<16xi32>
        %gather3A = tpu.vector_load_idx %arg11[%broadcast_in_dim3A_100, %iota3A] : memref<25x16xf32, #tpu.memory_space<vmem>>[vector<16xi32>, vector<16xi32>], vector<16xf32>,
        %exp3A = math.exp %gather3A : vector<16xf32>
        %mul3A_101 = arith.constant 5.000000e-01 : f32
        %mul3A_102 = vector.broadcast %mul3A_101 : f32 to vector<16xf32>
        %mul3A_103 = arith.mulf %mul3A_102, %exp3A : vector<16xf32>
        %add3A_104 = arith.constant 1 : i32
        %add3A_105 = arith.addi %scan3A_99, %add3A_104 : i32
        %dma_start3A_106 = arith.constant 0 : i32
        %dma_start3A_107 = tpu.memref_slice %arg3[%scan3A_99, %add3A_10, %dma_start3A_106] : memref<25x64x100001xf32, #tpu.memory_space<hbm>> -> memref<1x1x100001xf32, #tpu.memory_space<hbm>>
        %dma_start3A_108 = arith.constant 0 : i32
        %dma_start3A_109 = tpu.memref_slice %arg3[%scan3A_99, %add3A_10, %dma_start3A_108] : memref<25x64x100001xf32, #tpu.memory_space<hbm>> -> memref<1x1x100001xf32, #tpu.memory_space<hbm>>
        tpu.enqueue_dma source(%dma_start3A_109 : memref<1x1x100001xf32, #tpu.memory_space<hbm>>) target(%arg7 : memref<1x1x100001xf32, #tpu.memory_space<vmem>>) target_semaphore(%arg12 : memref<!tpu.dma_semaphore, #tpu.memory_space<semaphore_mem>>)
        %dma_start3A_110 = arith.constant 0 : i32
        %dma_start3A_111 = tpu.memref_slice %arg4[%add3A_105, %dma_start3A_110] : memref<26x16384xi32, #tpu.memory_space<hbm>> -> memref<1x4096xi32, #tpu.memory_space<hbm>>
        %dma_start3A_112 = arith.constant 0 : i32
        %dma_start3A_113 = tpu.memref_slice %arg4[%add3A_105, %dma_start3A_112] : memref<26x16384xi32, #tpu.memory_space<hbm>> -> memref<1x4096xi32, #tpu.memory_space<hbm>>
        tpu.enqueue_dma source(%dma_start3A_113 : memref<1x4096xi32, #tpu.memory_space<hbm>>) target(%arg9 : memref<1x4096xi32, #tpu.memory_space<vmem>>) target_semaphore(%arg13 : memref<!tpu.dma_semaphore, #tpu.memory_space<semaphore_mem>>)
        %dma_wait3A_114 = arith.constant 0 : i32
        %dma_wait3A_115 = tpu.memref_slice %arg3[%scan3A_99, %add3A_10, %dma_wait3A_114] : memref<25x64x100001xf32, #tpu.memory_space<hbm>> -> memref<1x1x100001xf32, #tpu.memory_space<hbm>>
        %dma_wait3A_116 = arith.constant 0 : i32
        %dma_wait3A_117 = tpu.memref_slice %arg3[%scan3A_99, %add3A_10, %dma_wait3A_116] : memref<25x64x100001xf32, #tpu.memory_space<hbm>> -> memref<1x1x100001xf32, #tpu.memory_space<hbm>>
        tpu.wait_dma2 semaphore(%arg12 : memref<!tpu.dma_semaphore, #tpu.memory_space<semaphore_mem>>) src(%dma_wait3A_117 : memref<1x1x100001xf32, #tpu.memory_space<hbm>>) dst(%arg7 : memref<1x1x100001xf32, #tpu.memory_space<vmem>>)
        %dma_start3A_118 = arith.constant 4096 : i32
        %dma_start3A_119 = tpu.memref_slice %arg4[%add3A_105, %dma_start3A_118] : memref<26x16384xi32, #tpu.memory_space<hbm>> -> memref<1x4096xi32, #tpu.memory_space<hbm>>
        %dma_start3A_120 = arith.constant 4096 : i32
        %dma_start3A_121 = tpu.memref_slice %arg4[%add3A_105, %dma_start3A_120] : memref<26x16384xi32, #tpu.memory_space<hbm>> -> memref<1x4096xi32, #tpu.memory_space<hbm>>
        tpu.enqueue_dma source(%dma_start3A_121 : memref<1x4096xi32, #tpu.memory_space<hbm>>) target(%arg10 : memref<1x4096xi32, #tpu.memory_space<vmem>>) target_semaphore(%arg14 : memref<!tpu.dma_semaphore, #tpu.memory_space<semaphore_mem>>)
        %dma_wait3A_122 = arith.constant 0 : i32
        %dma_wait3A_123 = tpu.memref_slice %arg4[%add3A_105, %dma_wait3A_122] : memref<26x16384xi32, #tpu.memory_space<hbm>> -> memref<1x4096xi32, #tpu.memory_space<hbm>>
        %dma_wait3A_124 = arith.constant 0 : i32
        %dma_wait3A_125 = tpu.memref_slice %arg4[%add3A_105, %dma_wait3A_124] : memref<26x16384xi32, #tpu.memory_space<hbm>> -> memref<1x4096xi32, #tpu.memory_space<hbm>>
        tpu.wait_dma2 semaphore(%arg13 : memref<!tpu.dma_semaphore, #tpu.memory_space<semaphore_mem>>) src(%dma_wait3A_125 : memref<1x4096xi32, #tpu.memory_space<hbm>>) dst(%arg9 : memref<1x4096xi32, #tpu.memory_space<vmem>>)
        %scan3A_126 = arith.constant 0 : i32
        %scan3A_127 = arith.constant 0 : i32
        %scan3A_128 = arith.constant 32 : i32
        %scan3A_129 = arith.addi %scan3A_127, %scan3A_128 : i32
        %scan3A_130 = arith.constant 1 : i32
        scf.for %scan3A_170 = %scan3A_127 to %scan3A_129 step %scan3A_130  : i32 {
          %mul3A_171 = arith.constant 128 : i32
          %mul3A_172 = arith.muli %scan3A_170, %mul3A_171 : i32
          %add3A_173 = arith.constant 0 : i32
          %add3A_174 = arith.addi %mul3A_172, %add3A_173 : i32
          %get3A = arith.constant 0 : i32
          %get3A_175 = arith.index_cast %get3A : i32 to index
          %get3A_176 = arith.index_cast %add3A_174 : i32 to index
          %get3A_177 = tpu.vector_load %arg9[%get3A_175, %get3A_176] {strides = array<i32>} : memref<1x4096xi32, #tpu.memory_space<vmem>>, vector<16xi32>,
          %gather3A_178 = tpu.vector_load_idx %arg7[%broadcast_in_dim3A_1, %broadcast_in_dim3A_1, %get3A_177] : memref<1x1x100001xf32, #tpu.memory_space<vmem>>[vector<16xi32>, vector<16xi32>, vector<16xi32>], vector<16xf32>,
          %add3A_179 = arith.constant 0 : i32
          %add3A_180 = arith.addi %add3A_179, %add3A_174 : i32
          %get3A_181 = arith.constant 0 : i32
          %get3A_182 = arith.index_cast %get3A_181 : i32 to index
          %get3A_183 = arith.index_cast %add3A_180 : i32 to index
          %get3A_184 = tpu.vector_load %arg8[%get3A_182, %get3A_183] {strides = array<i32>} : memref<1x16384xf32, #tpu.memory_space<vmem>>, vector<16xf32>,
          %mul3A_185 = arith.mulf %mul3A_103, %gather3A_178 : vector<16xf32>
          %add3A_186 = arith.addf %get3A_184, %mul3A_185 : vector<16xf32>
          %swap3A = arith.constant 0 : i32
          %swap3A_187 = arith.index_cast %swap3A : i32 to index
          %swap3A_188 = arith.index_cast %add3A_180 : i32 to index
          %swap3A_189 = tpu.vector_load %arg8[%swap3A_187, %swap3A_188] {strides = array<i32>} : memref<1x16384xf32, #tpu.memory_space<vmem>>, vector<16xf32>,
          tpu.vector_store %arg8[%swap3A_187, %swap3A_188], %add3A_186 {strides = array<i32>} : memref<1x16384xf32, #tpu.memory_space<vmem>>, vector<16xf32>,
          %mul3A_190 = arith.constant 128 : i32
          %mul3A_191 = arith.muli %scan3A_170, %mul3A_190 : i32
          %add3A_192 = arith.constant 16 : i32
          %add3A_193 = arith.addi %mul3A_191, %add3A_192 : i32
          %get3A_194 = arith.constant 0 : i32
          %get3A_195 = arith.index_cast %get3A_194 : i32 to index
          %get3A_196 = arith.index_cast %add3A_193 : i32 to index
          %get3A_197 = tpu.vector_load %arg9[%get3A_195, %get3A_196] {strides = array<i32>} : memref<1x4096xi32, #tpu.memory_space<vmem>>, vector<16xi32>,
          %gather3A_198 = tpu.vector_load_idx %arg7[%broadcast_in_dim3A_1, %broadcast_in_dim3A_1, %get3A_197] : memref<1x1x100001xf32, #tpu.memory_space<vmem>>[vector<16xi32>, vector<16xi32>, vector<16xi32>], vector<16xf32>,
          %add3A_199 = arith.constant 0 : i32
          %add3A_200 = arith.addi %add3A_199, %add3A_193 : i32
          %get3A_201 = arith.constant 0 : i32
          %get3A_202 = arith.index_cast %get3A_201 : i32 to index
          %get3A_203 = arith.index_cast %add3A_200 : i32 to index
          %get3A_204 = tpu.vector_load %arg8[%get3A_202, %get3A_203] {strides = array<i32>} : memref<1x16384xf32, #tpu.memory_space<vmem>>, vector<16xf32>,
          %mul3A_205 = arith.mulf %mul3A_103, %gather3A_198 : vector<16xf32>
          %add3A_206 = arith.addf %get3A_204, %mul3A_205 : vector<16xf32>
          %swap3A_207 = arith.constant 0 : i32
          %swap3A_208 = arith.index_cast %swap3A_207 : i32 to index
          %swap3A_209 = arith.index_cast %add3A_200 : i32 to index
          %swap3A_210 = tpu.vector_load %arg8[%swap3A_208, %swap3A_209] {strides = array<i32>} : memref<1x16384xf32, #tpu.memory_space<vmem>>, vector<16xf32>,
          tpu.vector_store %arg8[%swap3A_208, %swap3A_209], %add3A_206 {strides = array<i32>} : memref<1x16384xf32, #tpu.memory_space<vmem>>, vector<16xf32>,
          %mul3A_211 = arith.constant 128 : i32
          %mul3A_212 = arith.muli %scan3A_170, %mul3A_211 : i32
          %add3A_213 = arith.constant 32 : i32
          %add3A_214 = arith.addi %mul3A_212, %add3A_213 : i32
          %get3A_215 = arith.constant 0 : i32
          %get3A_216 = arith.index_cast %get3A_215 : i32 to index
          %get3A_217 = arith.index_cast %add3A_214 : i32 to index
          %get3A_218 = tpu.vector_load %arg9[%get3A_216, %get3A_217] {strides = array<i32>} : memref<1x4096xi32, #tpu.memory_space<vmem>>, vector<16xi32>,
          %gather3A_219 = tpu.vector_load_idx %arg7[%broadcast_in_dim3A_1, %broadcast_in_dim3A_1, %get3A_218] : memref<1x1x100001xf32, #tpu.memory_space<vmem>>[vector<16xi32>, vector<16xi32>, vector<16xi32>], vector<16xf32>,
          %add3A_220 = arith.constant 0 : i32
          %add3A_221 = arith.addi %add3A_220, %add3A_214 : i32
          %get3A_222 = arith.constant 0 : i32
          %get3A_223 = arith.index_cast %get3A_222 : i32 to index
          %get3A_224 = arith.index_cast %add3A_221 : i32 to index
          %get3A_225 = tpu.vector_load %arg8[%get3A_223, %get3A_224] {strides = array<i32>} : memref<1x16384xf32, #tpu.memory_space<vmem>>, vector<16xf32>,
          %mul3A_226 = arith.mulf %mul3A_103, %gather3A_219 : vector<16xf32>
          %add3A_227 = arith.addf %get3A_225, %mul3A_226 : vector<16xf32>
          %swap3A_228 = arith.constant 0 : i32
          %swap3A_229 = arith.index_cast %swap3A_228 : i32 to index
          %swap3A_230 = arith.index_cast %add3A_221 : i32 to index
          %swap3A_231 = tpu.vector_load %arg8[%swap3A_229, %swap3A_230] {strides = array<i32>} : memref<1x16384xf32, #tpu.memory_space<vmem>>, vector<16xf32>,
          tpu.vector_store %arg8[%swap3A_229, %swap3A_230], %add3A_227 {strides = array<i32>} : memref<1x16384xf32, #tpu.memory_space<vmem>>, vector<16xf32>,
          %mul3A_232 = arith.constant 128 : i32
          %mul3A_233 = arith.muli %scan3A_170, %mul3A_232 : i32
          %add3A_234 = arith.constant 48 : i32
          %add3A_235 = arith.addi %mul3A_233, %add3A_234 : i32
          %get3A_236 = arith.constant 0 : i32
          %get3A_237 = arith.index_cast %get3A_236 : i32 to index
          %get3A_238 = arith.index_cast %add3A_235 : i32 to index
          %get3A_239 = tpu.vector_load %arg9[%get3A_237, %get3A_238] {strides = array<i32>} : memref<1x4096xi32, #tpu.memory_space<vmem>>, vector<16xi32>,
          %gather3A_240 = tpu.vector_load_idx %arg7[%broadcast_in_dim3A_1, %broadcast_in_dim3A_1, %get3A_239] : memref<1x1x100001xf32, #tpu.memory_space<vmem>>[vector<16xi32>, vector<16xi32>, vector<16xi32>], vector<16xf32>,
          %add3A_241 = arith.constant 0 : i32
          %add3A_242 = arith.addi %add3A_241, %add3A_235 : i32
          %get3A_243 = arith.constant 0 : i32
          %get3A_244 = arith.index_cast %get3A_243 : i32 to index
          %get3A_245 = arith.index_cast %add3A_242 : i32 to index
          %get3A_246 = tpu.vector_load %arg8[%get3A_244, %get3A_245] {strides = array<i32>} : memref<1x16384xf32, #tpu.memory_space<vmem>>, vector<16xf32>,
          %mul3A_247 = arith.mulf %mul3A_103, %gather3A_240 : vector<16xf32>
          %add3A_248 = arith.addf %get3A_246, %mul3A_247 : vector<16xf32>
          %swap3A_249 = arith.constant 0 : i32
          %swap3A_250 = arith.index_cast %swap3A_249 : i32 to index
          %swap3A_251 = arith.index_cast %add3A_242 : i32 to index
          %swap3A_252 = tpu.vector_load %arg8[%swap3A_250, %swap3A_251] {strides = array<i32>} : memref<1x16384xf32, #tpu.memory_space<vmem>>, vector<16xf32>,
          tpu.vector_store %arg8[%swap3A_250, %swap3A_251], %add3A_248 {strides = array<i32>} : memref<1x16384xf32, #tpu.memory_space<vmem>>, vector<16xf32>,
          %mul3A_253 = arith.constant 128 : i32
          %mul3A_254 = arith.muli %scan3A_170, %mul3A_253 : i32
          %add3A_255 = arith.constant 64 : i32
          %add3A_256 = arith.addi %mul3A_254, %add3A_255 : i32
          %get3A_257 = arith.constant 0 : i32
          %get3A_258 = arith.index_cast %get3A_257 : i32 to index
          %get3A_259 = arith.index_cast %add3A_256 : i32 to index
          %get3A_260 = tpu.vector_load %arg9[%get3A_258, %get3A_259] {strides = array<i32>} : memref<1x4096xi32, #tpu.memory_space<vmem>>, vector<16xi32>,
          %gather3A_261 = tpu.vector_load_idx %arg7[%broadcast_in_dim3A_1, %broadcast_in_dim3A_1, %get3A_260] : memref<1x1x100001xf32, #tpu.memory_space<vmem>>[vector<16xi32>, vector<16xi32>, vector<16xi32>], vector<16xf32>,
          %add3A_262 = arith.constant 0 : i32
          %add3A_263 = arith.addi %add3A_262, %add3A_256 : i32
          %get3A_264 = arith.constant 0 : i32
          %get3A_265 = arith.index_cast %get3A_264 : i32 to index
          %get3A_266 = arith.index_cast %add3A_263 : i32 to index
          %get3A_267 = tpu.vector_load %arg8[%get3A_265, %get3A_266] {strides = array<i32>} : memref<1x16384xf32, #tpu.memory_space<vmem>>, vector<16xf32>,
          %mul3A_268 = arith.mulf %mul3A_103, %gather3A_261 : vector<16xf32>
          %add3A_269 = arith.addf %get3A_267, %mul3A_268 : vector<16xf32>
          %swap3A_270 = arith.constant 0 : i32
          %swap3A_271 = arith.index_cast %swap3A_270 : i32 to index
          %swap3A_272 = arith.index_cast %add3A_263 : i32 to index
          %swap3A_273 = tpu.vector_load %arg8[%swap3A_271, %swap3A_272] {strides = array<i32>} : memref<1x16384xf32, #tpu.memory_space<vmem>>, vector<16xf32>,
          tpu.vector_store %arg8[%swap3A_271, %swap3A_272], %add3A_269 {strides = array<i32>} : memref<1x16384xf32, #tpu.memory_space<vmem>>, vector<16xf32>,
          %mul3A_274 = arith.constant 128 : i32
          %mul3A_275 = arith.muli %scan3A_170, %mul3A_274 : i32
          %add3A_276 = arith.constant 80 : i32
          %add3A_277 = arith.addi %mul3A_275, %add3A_276 : i32
          %get3A_278 = arith.constant 0 : i32
          %get3A_279 = arith.index_cast %get3A_278 : i32 to index
          %get3A_280 = arith.index_cast %add3A_277 : i32 to index
          %get3A_281 = tpu.vector_load %arg9[%get3A_279, %get3A_280] {strides = array<i32>} : memref<1x4096xi32, #tpu.memory_space<vmem>>, vector<16xi32>,
          %gather3A_282 = tpu.vector_load_idx %arg7[%broadcast_in_dim3A_1, %broadcast_in_dim3A_1, %get3A_281] : memref<1x1x100001xf32, #tpu.memory_space<vmem>>[vector<16xi32>, vector<16xi32>, vector<16xi32>], vector<16xf32>,
          %add3A_283 = arith.constant 0 : i32
          %add3A_284 = arith.addi %add3A_283, %add3A_277 : i32
          %get3A_285 = arith.constant 0 : i32
          %get3A_286 = arith.index_cast %get3A_285 : i32 to index
          %get3A_287 = arith.index_cast %add3A_284 : i32 to index
          %get3A_288 = tpu.vector_load %arg8[%get3A_286, %get3A_287] {strides = array<i32>} : memref<1x16384xf32, #tpu.memory_space<vmem>>, vector<16xf32>,
          %mul3A_289 = arith.mulf %mul3A_103, %gather3A_282 : vector<16xf32>
          %add3A_290 = arith.addf %get3A_288, %mul3A_289 : vector<16xf32>
          %swap3A_291 = arith.constant 0 : i32
          %swap3A_292 = arith.index_cast %swap3A_291 : i32 to index
          %swap3A_293 = arith.index_cast %add3A_284 : i32 to index
          %swap3A_294 = tpu.vector_load %arg8[%swap3A_292, %swap3A_293] {strides = array<i32>} : memref<1x16384xf32, #tpu.memory_space<vmem>>, vector<16xf32>,
          tpu.vector_store %arg8[%swap3A_292, %swap3A_293], %add3A_290 {strides = array<i32>} : memref<1x16384xf32, #tpu.memory_space<vmem>>, vector<16xf32>,
          %mul3A_295 = arith.constant 128 : i32
          %mul3A_296 = arith.muli %scan3A_170, %mul3A_295 : i32
          %add3A_297 = arith.constant 96 : i32
          %add3A_298 = arith.addi %mul3A_296, %add3A_297 : i32
          %get3A_299 = arith.constant 0 : i32
          %get3A_300 = arith.index_cast %get3A_299 : i32 to index
          %get3A_301 = arith.index_cast %add3A_298 : i32 to index
          %get3A_302 = tpu.vector_load %arg9[%get3A_300, %get3A_301] {strides = array<i32>} : memref<1x4096xi32, #tpu.memory_space<vmem>>, vector<16xi32>,
          %gather3A_303 = tpu.vector_load_idx %arg7[%broadcast_in_dim3A_1, %broadcast_in_dim3A_1, %get3A_302] : memref<1x1x100001xf32, #tpu.memory_space<vmem>>[vector<16xi32>, vector<16xi32>, vector<16xi32>], vector<16xf32>,
          %add3A_304 = arith.constant 0 : i32
          %add3A_305 = arith.addi %add3A_304, %add3A_298 : i32
          %get3A_306 = arith.constant 0 : i32
          %get3A_307 = arith.index_cast %get3A_306 : i32 to index
          %get3A_308 = arith.index_cast %add3A_305 : i32 to index
          %get3A_309 = tpu.vector_load %arg8[%get3A_307, %get3A_308] {strides = array<i32>} : memref<1x16384xf32, #tpu.memory_space<vmem>>, vector<16xf32>,
          %mul3A_310 = arith.mulf %mul3A_103, %gather3A_303 : vector<16xf32>
          %add3A_311 = arith.addf %get3A_309, %mul3A_310 : vector<16xf32>
          %swap3A_312 = arith.constant 0 : i32
          %swap3A_313 = arith.index_cast %swap3A_312 : i32 to index
          %swap3A_314 = arith.index_cast %add3A_305 : i32 to index
          %swap3A_315 = tpu.vector_load %arg8[%swap3A_313, %swap3A_314] {strides = array<i32>} : memref<1x16384xf32, #tpu.memory_space<vmem>>, vector<16xf32>,
          tpu.vector_store %arg8[%swap3A_313, %swap3A_314], %add3A_311 {strides = array<i32>} : memref<1x16384xf32, #tpu.memory_space<vmem>>, vector<16xf32>,
          %mul3A_316 = arith.constant 128 : i32
          %mul3A_317 = arith.muli %scan3A_170, %mul3A_316 : i32
          %add3A_318 = arith.constant 112 : i32
          %add3A_319 = arith.addi %mul3A_317, %add3A_318 : i32
          %get3A_320 = arith.constant 0 : i32
          %get3A_321 = arith.index_cast %get3A_320 : i32 to index
          %get3A_322 = arith.index_cast %add3A_319 : i32 to index
          %get3A_323 = tpu.vector_load %arg9[%get3A_321, %get3A_322] {strides = array<i32>} : memref<1x4096xi32, #tpu.memory_space<vmem>>, vector<16xi32>,
          %gather3A_324 = tpu.vector_load_idx %arg7[%broadcast_in_dim3A_1, %broadcast_in_dim3A_1, %get3A_323] : memref<1x1x100001xf32, #tpu.memory_space<vmem>>[vector<16xi32>, vector<16xi32>, vector<16xi32>], vector<16xf32>,
          %add3A_325 = arith.constant 0 : i32
          %add3A_326 = arith.addi %add3A_325, %add3A_319 : i32
          %get3A_327 = arith.constant 0 : i32
          %get3A_328 = arith.index_cast %get3A_327 : i32 to index
          %get3A_329 = arith.index_cast %add3A_326 : i32 to index
          %get3A_330 = tpu.vector_load %arg8[%get3A_328, %get3A_329] {strides = array<i32>} : memref<1x16384xf32, #tpu.memory_space<vmem>>, vector<16xf32>,
          %mul3A_331 = arith.mulf %mul3A_103, %gather3A_324 : vector<16xf32>
          %add3A_332 = arith.addf %get3A_330, %mul3A_331 : vector<16xf32>
          %swap3A_333 = arith.constant 0 : i32
          %swap3A_334 = arith.index_cast %swap3A_333 : i32 to index
          %swap3A_335 = arith.index_cast %add3A_326 : i32 to index
          %swap3A_336 = tpu.vector_load %arg8[%swap3A_334, %swap3A_335] {strides = array<i32>} : memref<1x16384xf32, #tpu.memory_space<vmem>>, vector<16xf32>,
          tpu.vector_store %arg8[%swap3A_334, %swap3A_335], %add3A_332 {strides = array<i32>} : memref<1x16384xf32, #tpu.memory_space<vmem>>, vector<16xf32>,
        }
        %scan3A_131 = arith.constant 32 : i32
        %dma_start3A_132 = arith.constant 8192 : i32
        %dma_start3A_133 = tpu.memref_slice %arg4[%add3A_105, %dma_start3A_132] : memref<26x16384xi32, #tpu.memory_space<hbm>> -> memref<1x4096xi32, #tpu.memory_space<hbm>>
        %dma_start3A_134 = arith.constant 8192 : i32
        %dma_start3A_135 = tpu.memref_slice %arg4[%add3A_105, %dma_start3A_134] : memref<26x16384xi32, #tpu.memory_space<hbm>> -> memref<1x4096xi32, #tpu.memory_space<hbm>>
        tpu.enqueue_dma source(%dma_start3A_135 : memref<1x4096xi32, #tpu.memory_space<hbm>>) target(%arg9 : memref<1x4096xi32, #tpu.memory_space<vmem>>) target_semaphore(%arg13 : memref<!tpu.dma_semaphore, #tpu.memory_space<semaphore_mem>>)
        %dma_wait3A_136 = arith.constant 4096 : i32
        %dma_wait3A_137 = tpu.memref_slice %arg4[%add3A_105, %dma_wait3A_136] : memref<26x16384xi32, #tpu.memory_space<hbm>> -> memref<1x4096xi32, #tpu.memory_space<hbm>>
        %dma_wait3A_138 = arith.constant 4096 : i32
        %dma_wait3A_139 = tpu.memref_slice %arg4[%add3A_105, %dma_wait3A_138] : memref<26x16384xi32, #tpu.memory_space<hbm>> -> memref<1x4096xi32, #tpu.memory_space<hbm>>
        tpu.wait_dma2 semaphore(%arg14 : memref<!tpu.dma_semaphore, #tpu.memory_space<semaphore_mem>>) src(%dma_wait3A_139 : memref<1x4096xi32, #tpu.memory_space<hbm>>) dst(%arg10 : memref<1x4096xi32, #tpu.memory_space<vmem>>)
        %scan3A_140 = arith.constant 0 : i32
        %scan3A_141 = arith.constant 0 : i32
        %scan3A_142 = arith.constant 32 : i32
        %scan3A_143 = arith.addi %scan3A_141, %scan3A_142 : i32
        %scan3A_144 = arith.constant 1 : i32
        scf.for %scan3A_170 = %scan3A_141 to %scan3A_143 step %scan3A_144  : i32 {
          %mul3A_171 = arith.constant 128 : i32
          %mul3A_172 = arith.muli %scan3A_170, %mul3A_171 : i32
          %add3A_173 = arith.constant 0 : i32
          %add3A_174 = arith.addi %mul3A_172, %add3A_173 : i32
          %get3A = arith.constant 0 : i32
          %get3A_175 = arith.index_cast %get3A : i32 to index
          %get3A_176 = arith.index_cast %add3A_174 : i32 to index
          %get3A_177 = tpu.vector_load %arg10[%get3A_175, %get3A_176] {strides = array<i32>} : memref<1x4096xi32, #tpu.memory_space<vmem>>, vector<16xi32>,
          %gather3A_178 = tpu.vector_load_idx %arg7[%broadcast_in_dim3A_1, %broadcast_in_dim3A_1, %get3A_177] : memref<1x1x100001xf32, #tpu.memory_space<vmem>>[vector<16xi32>, vector<16xi32>, vector<16xi32>], vector<16xf32>,
          %add3A_179 = arith.constant 4096 : i32
          %add3A_180 = arith.addi %add3A_179, %add3A_174 : i32
          %get3A_181 = arith.constant 0 : i32
          %get3A_182 = arith.index_cast %get3A_181 : i32 to index
          %get3A_183 = arith.index_cast %add3A_180 : i32 to index
          %get3A_184 = tpu.vector_load %arg8[%get3A_182, %get3A_183] {strides = array<i32>} : memref<1x16384xf32, #tpu.memory_space<vmem>>, vector<16xf32>,
          %mul3A_185 = arith.mulf %mul3A_103, %gather3A_178 : vector<16xf32>
          %add3A_186 = arith.addf %get3A_184, %mul3A_185 : vector<16xf32>
          %swap3A = arith.constant 0 : i32
          %swap3A_187 = arith.index_cast %swap3A : i32 to index
          %swap3A_188 = arith.index_cast %add3A_180 : i32 to index
          %swap3A_189 = tpu.vector_load %arg8[%swap3A_187, %swap3A_188] {strides = array<i32>} : memref<1x16384xf32, #tpu.memory_space<vmem>>, vector<16xf32>,
          tpu.vector_store %arg8[%swap3A_187, %swap3A_188], %add3A_186 {strides = array<i32>} : memref<1x16384xf32, #tpu.memory_space<vmem>>, vector<16xf32>,
          %mul3A_190 = arith.constant 128 : i32
          %mul3A_191 = arith.muli %scan3A_170, %mul3A_190 : i32
          %add3A_192 = arith.constant 16 : i32
          %add3A_193 = arith.addi %mul3A_191, %add3A_192 : i32
          %get3A_194 = arith.constant 0 : i32
          %get3A_195 = arith.index_cast %get3A_194 : i32 to index
          %get3A_196 = arith.index_cast %add3A_193 : i32 to index
          %get3A_197 = tpu.vector_load %arg10[%get3A_195, %get3A_196] {strides = array<i32>} : memref<1x4096xi32, #tpu.memory_space<vmem>>, vector<16xi32>,
          %gather3A_198 = tpu.vector_load_idx %arg7[%broadcast_in_dim3A_1, %broadcast_in_dim3A_1, %get3A_197] : memref<1x1x100001xf32, #tpu.memory_space<vmem>>[vector<16xi32>, vector<16xi32>, vector<16xi32>], vector<16xf32>,
          %add3A_199 = arith.constant 4096 : i32
          %add3A_200 = arith.addi %add3A_199, %add3A_193 : i32
          %get3A_201 = arith.constant 0 : i32
          %get3A_202 = arith.index_cast %get3A_201 : i32 to index
          %get3A_203 = arith.index_cast %add3A_200 : i32 to index
          %get3A_204 = tpu.vector_load %arg8[%get3A_202, %get3A_203] {strides = array<i32>} : memref<1x16384xf32, #tpu.memory_space<vmem>>, vector<16xf32>,
          %mul3A_205 = arith.mulf %mul3A_103, %gather3A_198 : vector<16xf32>
          %add3A_206 = arith.addf %get3A_204, %mul3A_205 : vector<16xf32>
          %swap3A_207 = arith.constant 0 : i32
          %swap3A_208 = arith.index_cast %swap3A_207 : i32 to index
          %swap3A_209 = arith.index_cast %add3A_200 : i32 to index
          %swap3A_210 = tpu.vector_load %arg8[%swap3A_208, %swap3A_209] {strides = array<i32>} : memref<1x16384xf32, #tpu.memory_space<vmem>>, vector<16xf32>,
          tpu.vector_store %arg8[%swap3A_208, %swap3A_209], %add3A_206 {strides = array<i32>} : memref<1x16384xf32, #tpu.memory_space<vmem>>, vector<16xf32>,
          %mul3A_211 = arith.constant 128 : i32
          %mul3A_212 = arith.muli %scan3A_170, %mul3A_211 : i32
          %add3A_213 = arith.constant 32 : i32
          %add3A_214 = arith.addi %mul3A_212, %add3A_213 : i32
          %get3A_215 = arith.constant 0 : i32
          %get3A_216 = arith.index_cast %get3A_215 : i32 to index
          %get3A_217 = arith.index_cast %add3A_214 : i32 to index
          %get3A_218 = tpu.vector_load %arg10[%get3A_216, %get3A_217] {strides = array<i32>} : memref<1x4096xi32, #tpu.memory_space<vmem>>, vector<16xi32>,
          %gather3A_219 = tpu.vector_load_idx %arg7[%broadcast_in_dim3A_1, %broadcast_in_dim3A_1, %get3A_218] : memref<1x1x100001xf32, #tpu.memory_space<vmem>>[vector<16xi32>, vector<16xi32>, vector<16xi32>], vector<16xf32>,
          %add3A_220 = arith.constant 4096 : i32
          %add3A_221 = arith.addi %add3A_220, %add3A_214 : i32
          %get3A_222 = arith.constant 0 : i32
          %get3A_223 = arith.index_cast %get3A_222 : i32 to index
          %get3A_224 = arith.index_cast %add3A_221 : i32 to index
          %get3A_225 = tpu.vector_load %arg8[%get3A_223, %get3A_224] {strides = array<i32>} : memref<1x16384xf32, #tpu.memory_space<vmem>>, vector<16xf32>,
          %mul3A_226 = arith.mulf %mul3A_103, %gather3A_219 : vector<16xf32>
          %add3A_227 = arith.addf %get3A_225, %mul3A_226 : vector<16xf32>
          %swap3A_228 = arith.constant 0 : i32
          %swap3A_229 = arith.index_cast %swap3A_228 : i32 to index
          %swap3A_230 = arith.index_cast %add3A_221 : i32 to index
          %swap3A_231 = tpu.vector_load %arg8[%swap3A_229, %swap3A_230] {strides = array<i32>} : memref<1x16384xf32, #tpu.memory_space<vmem>>, vector<16xf32>,
          tpu.vector_store %arg8[%swap3A_229, %swap3A_230], %add3A_227 {strides = array<i32>} : memref<1x16384xf32, #tpu.memory_space<vmem>>, vector<16xf32>,
          %mul3A_232 = arith.constant 128 : i32
          %mul3A_233 = arith.muli %scan3A_170, %mul3A_232 : i32
          %add3A_234 = arith.constant 48 : i32
          %add3A_235 = arith.addi %mul3A_233, %add3A_234 : i32
          %get3A_236 = arith.constant 0 : i32
          %get3A_237 = arith.index_cast %get3A_236 : i32 to index
          %get3A_238 = arith.index_cast %add3A_235 : i32 to index
          %get3A_239 = tpu.vector_load %arg10[%get3A_237, %get3A_238] {strides = array<i32>} : memref<1x4096xi32, #tpu.memory_space<vmem>>, vector<16xi32>,
          %gather3A_240 = tpu.vector_load_idx %arg7[%broadcast_in_dim3A_1, %broadcast_in_dim3A_1, %get3A_239] : memref<1x1x100001xf32, #tpu.memory_space<vmem>>[vector<16xi32>, vector<16xi32>, vector<16xi32>], vector<16xf32>,
          %add3A_241 = arith.constant 4096 : i32
          %add3A_242 = arith.addi %add3A_241, %add3A_235 : i32
          %get3A_243 = arith.constant 0 : i32
          %get3A_244 = arith.index_cast %get3A_243 : i32 to index
          %get3A_245 = arith.index_cast %add3A_242 : i32 to index
          %get3A_246 = tpu.vector_load %arg8[%get3A_244, %get3A_245] {strides = array<i32>} : memref<1x16384xf32, #tpu.memory_space<vmem>>, vector<16xf32>,
          %mul3A_247 = arith.mulf %mul3A_103, %gather3A_240 : vector<16xf32>
          %add3A_248 = arith.addf %get3A_246, %mul3A_247 : vector<16xf32>
          %swap3A_249 = arith.constant 0 : i32
          %swap3A_250 = arith.index_cast %swap3A_249 : i32 to index
          %swap3A_251 = arith.index_cast %add3A_242 : i32 to index
          %swap3A_252 = tpu.vector_load %arg8[%swap3A_250, %swap3A_251] {strides = array<i32>} : memref<1x16384xf32, #tpu.memory_space<vmem>>, vector<16xf32>,
          tpu.vector_store %arg8[%swap3A_250, %swap3A_251], %add3A_248 {strides = array<i32>} : memref<1x16384xf32, #tpu.memory_space<vmem>>, vector<16xf32>,
          %mul3A_253 = arith.constant 128 : i32
          %mul3A_254 = arith.muli %scan3A_170, %mul3A_253 : i32
          %add3A_255 = arith.constant 64 : i32
          %add3A_256 = arith.addi %mul3A_254, %add3A_255 : i32
          %get3A_257 = arith.constant 0 : i32
          %get3A_258 = arith.index_cast %get3A_257 : i32 to index
          %get3A_259 = arith.index_cast %add3A_256 : i32 to index
          %get3A_260 = tpu.vector_load %arg10[%get3A_258, %get3A_259] {strides = array<i32>} : memref<1x4096xi32, #tpu.memory_space<vmem>>, vector<16xi32>,
          %gather3A_261 = tpu.vector_load_idx %arg7[%broadcast_in_dim3A_1, %broadcast_in_dim3A_1, %get3A_260] : memref<1x1x100001xf32, #tpu.memory_space<vmem>>[vector<16xi32>, vector<16xi32>, vector<16xi32>], vector<16xf32>,
          %add3A_262 = arith.constant 4096 : i32
          %add3A_263 = arith.addi %add3A_262, %add3A_256 : i32
          %get3A_264 = arith.constant 0 : i32
          %get3A_265 = arith.index_cast %get3A_264 : i32 to index
          %get3A_266 = arith.index_cast %add3A_263 : i32 to index
          %get3A_267 = tpu.vector_load %arg8[%get3A_265, %get3A_266] {strides = array<i32>} : memref<1x16384xf32, #tpu.memory_space<vmem>>, vector<16xf32>,
          %mul3A_268 = arith.mulf %mul3A_103, %gather3A_261 : vector<16xf32>
          %add3A_269 = arith.addf %get3A_267, %mul3A_268 : vector<16xf32>
          %swap3A_270 = arith.constant 0 : i32
          %swap3A_271 = arith.index_cast %swap3A_270 : i32 to index
          %swap3A_272 = arith.index_cast %add3A_263 : i32 to index
          %swap3A_273 = tpu.vector_load %arg8[%swap3A_271, %swap3A_272] {strides = array<i32>} : memref<1x16384xf32, #tpu.memory_space<vmem>>, vector<16xf32>,
          tpu.vector_store %arg8[%swap3A_271, %swap3A_272], %add3A_269 {strides = array<i32>} : memref<1x16384xf32, #tpu.memory_space<vmem>>, vector<16xf32>,
          %mul3A_274 = arith.constant 128 : i32
          %mul3A_275 = arith.muli %scan3A_170, %mul3A_274 : i32
          %add3A_276 = arith.constant 80 : i32
          %add3A_277 = arith.addi %mul3A_275, %add3A_276 : i32
          %get3A_278 = arith.constant 0 : i32
          %get3A_279 = arith.index_cast %get3A_278 : i32 to index
          %get3A_280 = arith.index_cast %add3A_277 : i32 to index
          %get3A_281 = tpu.vector_load %arg10[%get3A_279, %get3A_280] {strides = array<i32>} : memref<1x4096xi32, #tpu.memory_space<vmem>>, vector<16xi32>,
          %gather3A_282 = tpu.vector_load_idx %arg7[%broadcast_in_dim3A_1, %broadcast_in_dim3A_1, %get3A_281] : memref<1x1x100001xf32, #tpu.memory_space<vmem>>[vector<16xi32>, vector<16xi32>, vector<16xi32>], vector<16xf32>,
          %add3A_283 = arith.constant 4096 : i32
          %add3A_284 = arith.addi %add3A_283, %add3A_277 : i32
          %get3A_285 = arith.constant 0 : i32
          %get3A_286 = arith.index_cast %get3A_285 : i32 to index
          %get3A_287 = arith.index_cast %add3A_284 : i32 to index
          %get3A_288 = tpu.vector_load %arg8[%get3A_286, %get3A_287] {strides = array<i32>} : memref<1x16384xf32, #tpu.memory_space<vmem>>, vector<16xf32>,
          %mul3A_289 = arith.mulf %mul3A_103, %gather3A_282 : vector<16xf32>
          %add3A_290 = arith.addf %get3A_288, %mul3A_289 : vector<16xf32>
          %swap3A_291 = arith.constant 0 : i32
          %swap3A_292 = arith.index_cast %swap3A_291 : i32 to index
          %swap3A_293 = arith.index_cast %add3A_284 : i32 to index
          %swap3A_294 = tpu.vector_load %arg8[%swap3A_292, %swap3A_293] {strides = array<i32>} : memref<1x16384xf32, #tpu.memory_space<vmem>>, vector<16xf32>,
          tpu.vector_store %arg8[%swap3A_292, %swap3A_293], %add3A_290 {strides = array<i32>} : memref<1x16384xf32, #tpu.memory_space<vmem>>, vector<16xf32>,
          %mul3A_295 = arith.constant 128 : i32
          %mul3A_296 = arith.muli %scan3A_170, %mul3A_295 : i32
          %add3A_297 = arith.constant 96 : i32
          %add3A_298 = arith.addi %mul3A_296, %add3A_297 : i32
          %get3A_299 = arith.constant 0 : i32
          %get3A_300 = arith.index_cast %get3A_299 : i32 to index
          %get3A_301 = arith.index_cast %add3A_298 : i32 to index
          %get3A_302 = tpu.vector_load %arg10[%get3A_300, %get3A_301] {strides = array<i32>} : memref<1x4096xi32, #tpu.memory_space<vmem>>, vector<16xi32>,
          %gather3A_303 = tpu.vector_load_idx %arg7[%broadcast_in_dim3A_1, %broadcast_in_dim3A_1, %get3A_302] : memref<1x1x100001xf32, #tpu.memory_space<vmem>>[vector<16xi32>, vector<16xi32>, vector<16xi32>], vector<16xf32>,
          %add3A_304 = arith.constant 4096 : i32
          %add3A_305 = arith.addi %add3A_304, %add3A_298 : i32
          %get3A_306 = arith.constant 0 : i32
          %get3A_307 = arith.index_cast %get3A_306 : i32 to index
          %get3A_308 = arith.index_cast %add3A_305 : i32 to index
          %get3A_309 = tpu.vector_load %arg8[%get3A_307, %get3A_308] {strides = array<i32>} : memref<1x16384xf32, #tpu.memory_space<vmem>>, vector<16xf32>,
          %mul3A_310 = arith.mulf %mul3A_103, %gather3A_303 : vector<16xf32>
          %add3A_311 = arith.addf %get3A_309, %mul3A_310 : vector<16xf32>
          %swap3A_312 = arith.constant 0 : i32
          %swap3A_313 = arith.index_cast %swap3A_312 : i32 to index
          %swap3A_314 = arith.index_cast %add3A_305 : i32 to index
          %swap3A_315 = tpu.vector_load %arg8[%swap3A_313, %swap3A_314] {strides = array<i32>} : memref<1x16384xf32, #tpu.memory_space<vmem>>, vector<16xf32>,
          tpu.vector_store %arg8[%swap3A_313, %swap3A_314], %add3A_311 {strides = array<i32>} : memref<1x16384xf32, #tpu.memory_space<vmem>>, vector<16xf32>,
          %mul3A_316 = arith.constant 128 : i32
          %mul3A_317 = arith.muli %scan3A_170, %mul3A_316 : i32
          %add3A_318 = arith.constant 112 : i32
          %add3A_319 = arith.addi %mul3A_317, %add3A_318 : i32
          %get3A_320 = arith.constant 0 : i32
          %get3A_321 = arith.index_cast %get3A_320 : i32 to index
          %get3A_322 = arith.index_cast %add3A_319 : i32 to index
          %get3A_323 = tpu.vector_load %arg10[%get3A_321, %get3A_322] {strides = array<i32>} : memref<1x4096xi32, #tpu.memory_space<vmem>>, vector<16xi32>,
          %gather3A_324 = tpu.vector_load_idx %arg7[%broadcast_in_dim3A_1, %broadcast_in_dim3A_1, %get3A_323] : memref<1x1x100001xf32, #tpu.memory_space<vmem>>[vector<16xi32>, vector<16xi32>, vector<16xi32>], vector<16xf32>,
          %add3A_325 = arith.constant 4096 : i32
          %add3A_326 = arith.addi %add3A_325, %add3A_319 : i32
          %get3A_327 = arith.constant 0 : i32
          %get3A_328 = arith.index_cast %get3A_327 : i32 to index
          %get3A_329 = arith.index_cast %add3A_326 : i32 to index
          %get3A_330 = tpu.vector_load %arg8[%get3A_328, %get3A_329] {strides = array<i32>} : memref<1x16384xf32, #tpu.memory_space<vmem>>, vector<16xf32>,
          %mul3A_331 = arith.mulf %mul3A_103, %gather3A_324 : vector<16xf32>
          %add3A_332 = arith.addf %get3A_330, %mul3A_331 : vector<16xf32>
          %swap3A_333 = arith.constant 0 : i32
          %swap3A_334 = arith.index_cast %swap3A_333 : i32 to index
          %swap3A_335 = arith.index_cast %add3A_326 : i32 to index
          %swap3A_336 = tpu.vector_load %arg8[%swap3A_334, %swap3A_335] {strides = array<i32>} : memref<1x16384xf32, #tpu.memory_space<vmem>>, vector<16xf32>,
          tpu.vector_store %arg8[%swap3A_334, %swap3A_335], %add3A_332 {strides = array<i32>} : memref<1x16384xf32, #tpu.memory_space<vmem>>, vector<16xf32>,
        }
        %scan3A_145 = arith.constant 32 : i32
        %dma_start3A_146 = arith.constant 12288 : i32
        %dma_start3A_147 = tpu.memref_slice %arg4[%add3A_105, %dma_start3A_146] : memref<26x16384xi32, #tpu.memory_space<hbm>> -> memref<1x4096xi32, #tpu.memory_space<hbm>>
        %dma_start3A_148 = arith.constant 12288 : i32
        %dma_start3A_149 = tpu.memref_slice %arg4[%add3A_105, %dma_start3A_148] : memref<26x16384xi32, #tpu.memory_space<hbm>> -> memref<1x4096xi32, #tpu.memory_space<hbm>>
        tpu.enqueue_dma source(%dma_start3A_149 : memref<1x4096xi32, #tpu.memory_space<hbm>>) target(%arg10 : memref<1x4096xi32, #tpu.memory_space<vmem>>) target_semaphore(%arg14 : memref<!tpu.dma_semaphore, #tpu.memory_space<semaphore_mem>>)
        %dma_wait3A_150 = arith.constant 8192 : i32
        %dma_wait3A_151 = tpu.memref_slice %arg4[%add3A_105, %dma_wait3A_150] : memref<26x16384xi32, #tpu.memory_space<hbm>> -> memref<1x4096xi32, #tpu.memory_space<hbm>>
        %dma_wait3A_152 = arith.constant 8192 : i32
        %dma_wait3A_153 = tpu.memref_slice %arg4[%add3A_105, %dma_wait3A_152] : memref<26x16384xi32, #tpu.memory_space<hbm>> -> memref<1x4096xi32, #tpu.memory_space<hbm>>
        tpu.wait_dma2 semaphore(%arg13 : memref<!tpu.dma_semaphore, #tpu.memory_space<semaphore_mem>>) src(%dma_wait3A_153 : memref<1x4096xi32, #tpu.memory_space<hbm>>) dst(%arg9 : memref<1x4096xi32, #tpu.memory_space<vmem>>)
        %scan3A_154 = arith.constant 0 : i32
        %scan3A_155 = arith.constant 0 : i32
        %scan3A_156 = arith.constant 32 : i32
        %scan3A_157 = arith.addi %scan3A_155, %scan3A_156 : i32
        %scan3A_158 = arith.constant 1 : i32
        scf.for %scan3A_170 = %scan3A_155 to %scan3A_157 step %scan3A_158  : i32 {
          %mul3A_171 = arith.constant 128 : i32
          %mul3A_172 = arith.muli %scan3A_170, %mul3A_171 : i32
          %add3A_173 = arith.constant 0 : i32
          %add3A_174 = arith.addi %mul3A_172, %add3A_173 : i32
          %get3A = arith.constant 0 : i32
          %get3A_175 = arith.index_cast %get3A : i32 to index
          %get3A_176 = arith.index_cast %add3A_174 : i32 to index
          %get3A_177 = tpu.vector_load %arg9[%get3A_175, %get3A_176] {strides = array<i32>} : memref<1x4096xi32, #tpu.memory_space<vmem>>, vector<16xi32>,
          %gather3A_178 = tpu.vector_load_idx %arg7[%broadcast_in_dim3A_1, %broadcast_in_dim3A_1, %get3A_177] : memref<1x1x100001xf32, #tpu.memory_space<vmem>>[vector<16xi32>, vector<16xi32>, vector<16xi32>], vector<16xf32>,
          %add3A_179 = arith.constant 8192 : i32
          %add3A_180 = arith.addi %add3A_179, %add3A_174 : i32
          %get3A_181 = arith.constant 0 : i32
          %get3A_182 = arith.index_cast %get3A_181 : i32 to index
          %get3A_183 = arith.index_cast %add3A_180 : i32 to index
          %get3A_184 = tpu.vector_load %arg8[%get3A_182, %get3A_183] {strides = array<i32>} : memref<1x16384xf32, #tpu.memory_space<vmem>>, vector<16xf32>,
          %mul3A_185 = arith.mulf %mul3A_103, %gather3A_178 : vector<16xf32>
          %add3A_186 = arith.addf %get3A_184, %mul3A_185 : vector<16xf32>
          %swap3A = arith.constant 0 : i32
          %swap3A_187 = arith.index_cast %swap3A : i32 to index
          %swap3A_188 = arith.index_cast %add3A_180 : i32 to index
          %swap3A_189 = tpu.vector_load %arg8[%swap3A_187, %swap3A_188] {strides = array<i32>} : memref<1x16384xf32, #tpu.memory_space<vmem>>, vector<16xf32>,
          tpu.vector_store %arg8[%swap3A_187, %swap3A_188], %add3A_186 {strides = array<i32>} : memref<1x16384xf32, #tpu.memory_space<vmem>>, vector<16xf32>,
          %mul3A_190 = arith.constant 128 : i32
          %mul3A_191 = arith.muli %scan3A_170, %mul3A_190 : i32
          %add3A_192 = arith.constant 16 : i32
          %add3A_193 = arith.addi %mul3A_191, %add3A_192 : i32
          %get3A_194 = arith.constant 0 : i32
          %get3A_195 = arith.index_cast %get3A_194 : i32 to index
          %get3A_196 = arith.index_cast %add3A_193 : i32 to index
          %get3A_197 = tpu.vector_load %arg9[%get3A_195, %get3A_196] {strides = array<i32>} : memref<1x4096xi32, #tpu.memory_space<vmem>>, vector<16xi32>,
          %gather3A_198 = tpu.vector_load_idx %arg7[%broadcast_in_dim3A_1, %broadcast_in_dim3A_1, %get3A_197] : memref<1x1x100001xf32, #tpu.memory_space<vmem>>[vector<16xi32>, vector<16xi32>, vector<16xi32>], vector<16xf32>,
          %add3A_199 = arith.constant 8192 : i32
          %add3A_200 = arith.addi %add3A_199, %add3A_193 : i32
          %get3A_201 = arith.constant 0 : i32
          %get3A_202 = arith.index_cast %get3A_201 : i32 to index
          %get3A_203 = arith.index_cast %add3A_200 : i32 to index
          %get3A_204 = tpu.vector_load %arg8[%get3A_202, %get3A_203] {strides = array<i32>} : memref<1x16384xf32, #tpu.memory_space<vmem>>, vector<16xf32>,
          %mul3A_205 = arith.mulf %mul3A_103, %gather3A_198 : vector<16xf32>
          %add3A_206 = arith.addf %get3A_204, %mul3A_205 : vector<16xf32>
          %swap3A_207 = arith.constant 0 : i32
          %swap3A_208 = arith.index_cast %swap3A_207 : i32 to index
          %swap3A_209 = arith.index_cast %add3A_200 : i32 to index
          %swap3A_210 = tpu.vector_load %arg8[%swap3A_208, %swap3A_209] {strides = array<i32>} : memref<1x16384xf32, #tpu.memory_space<vmem>>, vector<16xf32>,
          tpu.vector_store %arg8[%swap3A_208, %swap3A_209], %add3A_206 {strides = array<i32>} : memref<1x16384xf32, #tpu.memory_space<vmem>>, vector<16xf32>,
          %mul3A_211 = arith.constant 128 : i32
          %mul3A_212 = arith.muli %scan3A_170, %mul3A_211 : i32
          %add3A_213 = arith.constant 32 : i32
          %add3A_214 = arith.addi %mul3A_212, %add3A_213 : i32
          %get3A_215 = arith.constant 0 : i32
          %get3A_216 = arith.index_cast %get3A_215 : i32 to index
          %get3A_217 = arith.index_cast %add3A_214 : i32 to index
          %get3A_218 = tpu.vector_load %arg9[%get3A_216, %get3A_217] {strides = array<i32>} : memref<1x4096xi32, #tpu.memory_space<vmem>>, vector<16xi32>,
          %gather3A_219 = tpu.vector_load_idx %arg7[%broadcast_in_dim3A_1, %broadcast_in_dim3A_1, %get3A_218] : memref<1x1x100001xf32, #tpu.memory_space<vmem>>[vector<16xi32>, vector<16xi32>, vector<16xi32>], vector<16xf32>,
          %add3A_220 = arith.constant 8192 : i32
          %add3A_221 = arith.addi %add3A_220, %add3A_214 : i32
          %get3A_222 = arith.constant 0 : i32
          %get3A_223 = arith.index_cast %get3A_222 : i32 to index
          %get3A_224 = arith.index_cast %add3A_221 : i32 to index
          %get3A_225 = tpu.vector_load %arg8[%get3A_223, %get3A_224] {strides = array<i32>} : memref<1x16384xf32, #tpu.memory_space<vmem>>, vector<16xf32>,
          %mul3A_226 = arith.mulf %mul3A_103, %gather3A_219 : vector<16xf32>
          %add3A_227 = arith.addf %get3A_225, %mul3A_226 : vector<16xf32>
          %swap3A_228 = arith.constant 0 : i32
          %swap3A_229 = arith.index_cast %swap3A_228 : i32 to index
          %swap3A_230 = arith.index_cast %add3A_221 : i32 to index
          %swap3A_231 = tpu.vector_load %arg8[%swap3A_229, %swap3A_230] {strides = array<i32>} : memref<1x16384xf32, #tpu.memory_space<vmem>>, vector<16xf32>,
          tpu.vector_store %arg8[%swap3A_229, %swap3A_230], %add3A_227 {strides = array<i32>} : memref<1x16384xf32, #tpu.memory_space<vmem>>, vector<16xf32>,
          %mul3A_232 = arith.constant 128 : i32
          %mul3A_233 = arith.muli %scan3A_170, %mul3A_232 : i32
          %add3A_234 = arith.constant 48 : i32
          %add3A_235 = arith.addi %mul3A_233, %add3A_234 : i32
          %get3A_236 = arith.constant 0 : i32
          %get3A_237 = arith.index_cast %get3A_236 : i32 to index
          %get3A_238 = arith.index_cast %add3A_235 : i32 to index
          %get3A_239 = tpu.vector_load %arg9[%get3A_237, %get3A_238] {strides = array<i32>} : memref<1x4096xi32, #tpu.memory_space<vmem>>, vector<16xi32>,
          %gather3A_240 = tpu.vector_load_idx %arg7[%broadcast_in_dim3A_1, %broadcast_in_dim3A_1, %get3A_239] : memref<1x1x100001xf32, #tpu.memory_space<vmem>>[vector<16xi32>, vector<16xi32>, vector<16xi32>], vector<16xf32>,
          %add3A_241 = arith.constant 8192 : i32
          %add3A_242 = arith.addi %add3A_241, %add3A_235 : i32
          %get3A_243 = arith.constant 0 : i32
          %get3A_244 = arith.index_cast %get3A_243 : i32 to index
          %get3A_245 = arith.index_cast %add3A_242 : i32 to index
          %get3A_246 = tpu.vector_load %arg8[%get3A_244, %get3A_245] {strides = array<i32>} : memref<1x16384xf32, #tpu.memory_space<vmem>>, vector<16xf32>,
          %mul3A_247 = arith.mulf %mul3A_103, %gather3A_240 : vector<16xf32>
          %add3A_248 = arith.addf %get3A_246, %mul3A_247 : vector<16xf32>
          %swap3A_249 = arith.constant 0 : i32
          %swap3A_250 = arith.index_cast %swap3A_249 : i32 to index
          %swap3A_251 = arith.index_cast %add3A_242 : i32 to index
          %swap3A_252 = tpu.vector_load %arg8[%swap3A_250, %swap3A_251] {strides = array<i32>} : memref<1x16384xf32, #tpu.memory_space<vmem>>, vector<16xf32>,
          tpu.vector_store %arg8[%swap3A_250, %swap3A_251], %add3A_248 {strides = array<i32>} : memref<1x16384xf32, #tpu.memory_space<vmem>>, vector<16xf32>,
          %mul3A_253 = arith.constant 128 : i32
          %mul3A_254 = arith.muli %scan3A_170, %mul3A_253 : i32
          %add3A_255 = arith.constant 64 : i32
          %add3A_256 = arith.addi %mul3A_254, %add3A_255 : i32
          %get3A_257 = arith.constant 0 : i32
          %get3A_258 = arith.index_cast %get3A_257 : i32 to index
          %get3A_259 = arith.index_cast %add3A_256 : i32 to index
          %get3A_260 = tpu.vector_load %arg9[%get3A_258, %get3A_259] {strides = array<i32>} : memref<1x4096xi32, #tpu.memory_space<vmem>>, vector<16xi32>,
          %gather3A_261 = tpu.vector_load_idx %arg7[%broadcast_in_dim3A_1, %broadcast_in_dim3A_1, %get3A_260] : memref<1x1x100001xf32, #tpu.memory_space<vmem>>[vector<16xi32>, vector<16xi32>, vector<16xi32>], vector<16xf32>,
          %add3A_262 = arith.constant 8192 : i32
          %add3A_263 = arith.addi %add3A_262, %add3A_256 : i32
          %get3A_264 = arith.constant 0 : i32
          %get3A_265 = arith.index_cast %get3A_264 : i32 to index
          %get3A_266 = arith.index_cast %add3A_263 : i32 to index
          %get3A_267 = tpu.vector_load %arg8[%get3A_265, %get3A_266] {strides = array<i32>} : memref<1x16384xf32, #tpu.memory_space<vmem>>, vector<16xf32>,
          %mul3A_268 = arith.mulf %mul3A_103, %gather3A_261 : vector<16xf32>
          %add3A_269 = arith.addf %get3A_267, %mul3A_268 : vector<16xf32>
          %swap3A_270 = arith.constant 0 : i32
          %swap3A_271 = arith.index_cast %swap3A_270 : i32 to index
          %swap3A_272 = arith.index_cast %add3A_263 : i32 to index
          %swap3A_273 = tpu.vector_load %arg8[%swap3A_271, %swap3A_272] {strides = array<i32>} : memref<1x16384xf32, #tpu.memory_space<vmem>>, vector<16xf32>,
          tpu.vector_store %arg8[%swap3A_271, %swap3A_272], %add3A_269 {strides = array<i32>} : memref<1x16384xf32, #tpu.memory_space<vmem>>, vector<16xf32>,
          %mul3A_274 = arith.constant 128 : i32
          %mul3A_275 = arith.muli %scan3A_170, %mul3A_274 : i32
          %add3A_276 = arith.constant 80 : i32
          %add3A_277 = arith.addi %mul3A_275, %add3A_276 : i32
          %get3A_278 = arith.constant 0 : i32
          %get3A_279 = arith.index_cast %get3A_278 : i32 to index
          %get3A_280 = arith.index_cast %add3A_277 : i32 to index
          %get3A_281 = tpu.vector_load %arg9[%get3A_279, %get3A_280] {strides = array<i32>} : memref<1x4096xi32, #tpu.memory_space<vmem>>, vector<16xi32>,
          %gather3A_282 = tpu.vector_load_idx %arg7[%broadcast_in_dim3A_1, %broadcast_in_dim3A_1, %get3A_281] : memref<1x1x100001xf32, #tpu.memory_space<vmem>>[vector<16xi32>, vector<16xi32>, vector<16xi32>], vector<16xf32>,
          %add3A_283 = arith.constant 8192 : i32
          %add3A_284 = arith.addi %add3A_283, %add3A_277 : i32
          %get3A_285 = arith.constant 0 : i32
          %get3A_286 = arith.index_cast %get3A_285 : i32 to index
          %get3A_287 = arith.index_cast %add3A_284 : i32 to index
          %get3A_288 = tpu.vector_load %arg8[%get3A_286, %get3A_287] {strides = array<i32>} : memref<1x16384xf32, #tpu.memory_space<vmem>>, vector<16xf32>,
          %mul3A_289 = arith.mulf %mul3A_103, %gather3A_282 : vector<16xf32>
          %add3A_290 = arith.addf %get3A_288, %mul3A_289 : vector<16xf32>
          %swap3A_291 = arith.constant 0 : i32
          %swap3A_292 = arith.index_cast %swap3A_291 : i32 to index
          %swap3A_293 = arith.index_cast %add3A_284 : i32 to index
          %swap3A_294 = tpu.vector_load %arg8[%swap3A_292, %swap3A_293] {strides = array<i32>} : memref<1x16384xf32, #tpu.memory_space<vmem>>, vector<16xf32>,
          tpu.vector_store %arg8[%swap3A_292, %swap3A_293], %add3A_290 {strides = array<i32>} : memref<1x16384xf32, #tpu.memory_space<vmem>>, vector<16xf32>,
          %mul3A_295 = arith.constant 128 : i32
          %mul3A_296 = arith.muli %scan3A_170, %mul3A_295 : i32
          %add3A_297 = arith.constant 96 : i32
          %add3A_298 = arith.addi %mul3A_296, %add3A_297 : i32
          %get3A_299 = arith.constant 0 : i32
          %get3A_300 = arith.index_cast %get3A_299 : i32 to index
          %get3A_301 = arith.index_cast %add3A_298 : i32 to index
          %get3A_302 = tpu.vector_load %arg9[%get3A_300, %get3A_301] {strides = array<i32>} : memref<1x4096xi32, #tpu.memory_space<vmem>>, vector<16xi32>,
          %gather3A_303 = tpu.vector_load_idx %arg7[%broadcast_in_dim3A_1, %broadcast_in_dim3A_1, %get3A_302] : memref<1x1x100001xf32, #tpu.memory_space<vmem>>[vector<16xi32>, vector<16xi32>, vector<16xi32>], vector<16xf32>,
          %add3A_304 = arith.constant 8192 : i32
          %add3A_305 = arith.addi %add3A_304, %add3A_298 : i32
          %get3A_306 = arith.constant 0 : i32
          %get3A_307 = arith.index_cast %get3A_306 : i32 to index
          %get3A_308 = arith.index_cast %add3A_305 : i32 to index
          %get3A_309 = tpu.vector_load %arg8[%get3A_307, %get3A_308] {strides = array<i32>} : memref<1x16384xf32, #tpu.memory_space<vmem>>, vector<16xf32>,
          %mul3A_310 = arith.mulf %mul3A_103, %gather3A_303 : vector<16xf32>
          %add3A_311 = arith.addf %get3A_309, %mul3A_310 : vector<16xf32>
          %swap3A_312 = arith.constant 0 : i32
          %swap3A_313 = arith.index_cast %swap3A_312 : i32 to index
          %swap3A_314 = arith.index_cast %add3A_305 : i32 to index
          %swap3A_315 = tpu.vector_load %arg8[%swap3A_313, %swap3A_314] {strides = array<i32>} : memref<1x16384xf32, #tpu.memory_space<vmem>>, vector<16xf32>,
          tpu.vector_store %arg8[%swap3A_313, %swap3A_314], %add3A_311 {strides = array<i32>} : memref<1x16384xf32, #tpu.memory_space<vmem>>, vector<16xf32>,
          %mul3A_316 = arith.constant 128 : i32
          %mul3A_317 = arith.muli %scan3A_170, %mul3A_316 : i32
          %add3A_318 = arith.constant 112 : i32
          %add3A_319 = arith.addi %mul3A_317, %add3A_318 : i32
          %get3A_320 = arith.constant 0 : i32
          %get3A_321 = arith.index_cast %get3A_320 : i32 to index
          %get3A_322 = arith.index_cast %add3A_319 : i32 to index
          %get3A_323 = tpu.vector_load %arg9[%get3A_321, %get3A_322] {strides = array<i32>} : memref<1x4096xi32, #tpu.memory_space<vmem>>, vector<16xi32>,
          %gather3A_324 = tpu.vector_load_idx %arg7[%broadcast_in_dim3A_1, %broadcast_in_dim3A_1, %get3A_323] : memref<1x1x100001xf32, #tpu.memory_space<vmem>>[vector<16xi32>, vector<16xi32>, vector<16xi32>], vector<16xf32>,
          %add3A_325 = arith.constant 8192 : i32
          %add3A_326 = arith.addi %add3A_325, %add3A_319 : i32
          %get3A_327 = arith.constant 0 : i32
          %get3A_328 = arith.index_cast %get3A_327 : i32 to index
          %get3A_329 = arith.index_cast %add3A_326 : i32 to index
          %get3A_330 = tpu.vector_load %arg8[%get3A_328, %get3A_329] {strides = array<i32>} : memref<1x16384xf32, #tpu.memory_space<vmem>>, vector<16xf32>,
          %mul3A_331 = arith.mulf %mul3A_103, %gather3A_324 : vector<16xf32>
          %add3A_332 = arith.addf %get3A_330, %mul3A_331 : vector<16xf32>
          %swap3A_333 = arith.constant 0 : i32
          %swap3A_334 = arith.index_cast %swap3A_333 : i32 to index
          %swap3A_335 = arith.index_cast %add3A_326 : i32 to index
          %swap3A_336 = tpu.vector_load %arg8[%swap3A_334, %swap3A_335] {strides = array<i32>} : memref<1x16384xf32, #tpu.memory_space<vmem>>, vector<16xf32>,
          tpu.vector_store %arg8[%swap3A_334, %swap3A_335], %add3A_332 {strides = array<i32>} : memref<1x16384xf32, #tpu.memory_space<vmem>>, vector<16xf32>,
        }
        %scan3A_159 = arith.constant 32 : i32
        %dma_wait3A_160 = arith.constant 12288 : i32
        %dma_wait3A_161 = tpu.memref_slice %arg4[%add3A_105, %dma_wait3A_160] : memref<26x16384xi32, #tpu.memory_space<hbm>> -> memref<1x4096xi32, #tpu.memory_space<hbm>>
        %dma_wait3A_162 = arith.constant 12288 : i32
        %dma_wait3A_163 = tpu.memref_slice %arg4[%add3A_105, %dma_wait3A_162] : memref<26x16384xi32, #tpu.memory_space<hbm>> -> memref<1x4096xi32, #tpu.memory_space<hbm>>
        tpu.wait_dma2 semaphore(%arg14 : memref<!tpu.dma_semaphore, #tpu.memory_space<semaphore_mem>>) src(%dma_wait3A_163 : memref<1x4096xi32, #tpu.memory_space<hbm>>) dst(%arg10 : memref<1x4096xi32, #tpu.memory_space<vmem>>)
        %scan3A_164 = arith.constant 0 : i32
        %scan3A_165 = arith.constant 0 : i32
        %scan3A_166 = arith.constant 32 : i32
        %scan3A_167 = arith.addi %scan3A_165, %scan3A_166 : i32
        %scan3A_168 = arith.constant 1 : i32
        scf.for %scan3A_170 = %scan3A_165 to %scan3A_167 step %scan3A_168  : i32 {
          %mul3A_171 = arith.constant 128 : i32
          %mul3A_172 = arith.muli %scan3A_170, %mul3A_171 : i32
          %add3A_173 = arith.constant 0 : i32
          %add3A_174 = arith.addi %mul3A_172, %add3A_173 : i32
          %get3A = arith.constant 0 : i32
          %get3A_175 = arith.index_cast %get3A : i32 to index
          %get3A_176 = arith.index_cast %add3A_174 : i32 to index
          %get3A_177 = tpu.vector_load %arg10[%get3A_175, %get3A_176] {strides = array<i32>} : memref<1x4096xi32, #tpu.memory_space<vmem>>, vector<16xi32>,
          %gather3A_178 = tpu.vector_load_idx %arg7[%broadcast_in_dim3A_1, %broadcast_in_dim3A_1, %get3A_177] : memref<1x1x100001xf32, #tpu.memory_space<vmem>>[vector<16xi32>, vector<16xi32>, vector<16xi32>], vector<16xf32>,
          %add3A_179 = arith.constant 12288 : i32
          %add3A_180 = arith.addi %add3A_179, %add3A_174 : i32
          %get3A_181 = arith.constant 0 : i32
          %get3A_182 = arith.index_cast %get3A_181 : i32 to index
          %get3A_183 = arith.index_cast %add3A_180 : i32 to index
          %get3A_184 = tpu.vector_load %arg8[%get3A_182, %get3A_183] {strides = array<i32>} : memref<1x16384xf32, #tpu.memory_space<vmem>>, vector<16xf32>,
          %mul3A_185 = arith.mulf %mul3A_103, %gather3A_178 : vector<16xf32>
          %add3A_186 = arith.addf %get3A_184, %mul3A_185 : vector<16xf32>
          %swap3A = arith.constant 0 : i32
          %swap3A_187 = arith.index_cast %swap3A : i32 to index
          %swap3A_188 = arith.index_cast %add3A_180 : i32 to index
          %swap3A_189 = tpu.vector_load %arg8[%swap3A_187, %swap3A_188] {strides = array<i32>} : memref<1x16384xf32, #tpu.memory_space<vmem>>, vector<16xf32>,
          tpu.vector_store %arg8[%swap3A_187, %swap3A_188], %add3A_186 {strides = array<i32>} : memref<1x16384xf32, #tpu.memory_space<vmem>>, vector<16xf32>,
          %mul3A_190 = arith.constant 128 : i32
          %mul3A_191 = arith.muli %scan3A_170, %mul3A_190 : i32
          %add3A_192 = arith.constant 16 : i32
          %add3A_193 = arith.addi %mul3A_191, %add3A_192 : i32
          %get3A_194 = arith.constant 0 : i32
          %get3A_195 = arith.index_cast %get3A_194 : i32 to index
          %get3A_196 = arith.index_cast %add3A_193 : i32 to index
          %get3A_197 = tpu.vector_load %arg10[%get3A_195, %get3A_196] {strides = array<i32>} : memref<1x4096xi32, #tpu.memory_space<vmem>>, vector<16xi32>,
          %gather3A_198 = tpu.vector_load_idx %arg7[%broadcast_in_dim3A_1, %broadcast_in_dim3A_1, %get3A_197] : memref<1x1x100001xf32, #tpu.memory_space<vmem>>[vector<16xi32>, vector<16xi32>, vector<16xi32>], vector<16xf32>,
          %add3A_199 = arith.constant 12288 : i32
          %add3A_200 = arith.addi %add3A_199, %add3A_193 : i32
          %get3A_201 = arith.constant 0 : i32
          %get3A_202 = arith.index_cast %get3A_201 : i32 to index
          %get3A_203 = arith.index_cast %add3A_200 : i32 to index
          %get3A_204 = tpu.vector_load %arg8[%get3A_202, %get3A_203] {strides = array<i32>} : memref<1x16384xf32, #tpu.memory_space<vmem>>, vector<16xf32>,
          %mul3A_205 = arith.mulf %mul3A_103, %gather3A_198 : vector<16xf32>
          %add3A_206 = arith.addf %get3A_204, %mul3A_205 : vector<16xf32>
          %swap3A_207 = arith.constant 0 : i32
          %swap3A_208 = arith.index_cast %swap3A_207 : i32 to index
          %swap3A_209 = arith.index_cast %add3A_200 : i32 to index
          %swap3A_210 = tpu.vector_load %arg8[%swap3A_208, %swap3A_209] {strides = array<i32>} : memref<1x16384xf32, #tpu.memory_space<vmem>>, vector<16xf32>,
          tpu.vector_store %arg8[%swap3A_208, %swap3A_209], %add3A_206 {strides = array<i32>} : memref<1x16384xf32, #tpu.memory_space<vmem>>, vector<16xf32>,
          %mul3A_211 = arith.constant 128 : i32
          %mul3A_212 = arith.muli %scan3A_170, %mul3A_211 : i32
          %add3A_213 = arith.constant 32 : i32
          %add3A_214 = arith.addi %mul3A_212, %add3A_213 : i32
          %get3A_215 = arith.constant 0 : i32
          %get3A_216 = arith.index_cast %get3A_215 : i32 to index
          %get3A_217 = arith.index_cast %add3A_214 : i32 to index
          %get3A_218 = tpu.vector_load %arg10[%get3A_216, %get3A_217] {strides = array<i32>} : memref<1x4096xi32, #tpu.memory_space<vmem>>, vector<16xi32>,
          %gather3A_219 = tpu.vector_load_idx %arg7[%broadcast_in_dim3A_1, %broadcast_in_dim3A_1, %get3A_218] : memref<1x1x100001xf32, #tpu.memory_space<vmem>>[vector<16xi32>, vector<16xi32>, vector<16xi32>], vector<16xf32>,
          %add3A_220 = arith.constant 12288 : i32
          %add3A_221 = arith.addi %add3A_220, %add3A_214 : i32
          %get3A_222 = arith.constant 0 : i32
          %get3A_223 = arith.index_cast %get3A_222 : i32 to index
          %get3A_224 = arith.index_cast %add3A_221 : i32 to index
          %get3A_225 = tpu.vector_load %arg8[%get3A_223, %get3A_224] {strides = array<i32>} : memref<1x16384xf32, #tpu.memory_space<vmem>>, vector<16xf32>,
          %mul3A_226 = arith.mulf %mul3A_103, %gather3A_219 : vector<16xf32>
          %add3A_227 = arith.addf %get3A_225, %mul3A_226 : vector<16xf32>
          %swap3A_228 = arith.constant 0 : i32
          %swap3A_229 = arith.index_cast %swap3A_228 : i32 to index
          %swap3A_230 = arith.index_cast %add3A_221 : i32 to index
          %swap3A_231 = tpu.vector_load %arg8[%swap3A_229, %swap3A_230] {strides = array<i32>} : memref<1x16384xf32, #tpu.memory_space<vmem>>, vector<16xf32>,
          tpu.vector_store %arg8[%swap3A_229, %swap3A_230], %add3A_227 {strides = array<i32>} : memref<1x16384xf32, #tpu.memory_space<vmem>>, vector<16xf32>,
          %mul3A_232 = arith.constant 128 : i32
          %mul3A_233 = arith.muli %scan3A_170, %mul3A_232 : i32
          %add3A_234 = arith.constant 48 : i32
          %add3A_235 = arith.addi %mul3A_233, %add3A_234 : i32
          %get3A_236 = arith.constant 0 : i32
          %get3A_237 = arith.index_cast %get3A_236 : i32 to index
          %get3A_238 = arith.index_cast %add3A_235 : i32 to index
          %get3A_239 = tpu.vector_load %arg10[%get3A_237, %get3A_238] {strides = array<i32>} : memref<1x4096xi32, #tpu.memory_space<vmem>>, vector<16xi32>,
          %gather3A_240 = tpu.vector_load_idx %arg7[%broadcast_in_dim3A_1, %broadcast_in_dim3A_1, %get3A_239] : memref<1x1x100001xf32, #tpu.memory_space<vmem>>[vector<16xi32>, vector<16xi32>, vector<16xi32>], vector<16xf32>,
          %add3A_241 = arith.constant 12288 : i32
          %add3A_242 = arith.addi %add3A_241, %add3A_235 : i32
          %get3A_243 = arith.constant 0 : i32
          %get3A_244 = arith.index_cast %get3A_243 : i32 to index
          %get3A_245 = arith.index_cast %add3A_242 : i32 to index
          %get3A_246 = tpu.vector_load %arg8[%get3A_244, %get3A_245] {strides = array<i32>} : memref<1x16384xf32, #tpu.memory_space<vmem>>, vector<16xf32>,
          %mul3A_247 = arith.mulf %mul3A_103, %gather3A_240 : vector<16xf32>
          %add3A_248 = arith.addf %get3A_246, %mul3A_247 : vector<16xf32>
          %swap3A_249 = arith.constant 0 : i32
          %swap3A_250 = arith.index_cast %swap3A_249 : i32 to index
          %swap3A_251 = arith.index_cast %add3A_242 : i32 to index
          %swap3A_252 = tpu.vector_load %arg8[%swap3A_250, %swap3A_251] {strides = array<i32>} : memref<1x16384xf32, #tpu.memory_space<vmem>>, vector<16xf32>,
          tpu.vector_store %arg8[%swap3A_250, %swap3A_251], %add3A_248 {strides = array<i32>} : memref<1x16384xf32, #tpu.memory_space<vmem>>, vector<16xf32>,
          %mul3A_253 = arith.constant 128 : i32
          %mul3A_254 = arith.muli %scan3A_170, %mul3A_253 : i32
          %add3A_255 = arith.constant 64 : i32
          %add3A_256 = arith.addi %mul3A_254, %add3A_255 : i32
          %get3A_257 = arith.constant 0 : i32
          %get3A_258 = arith.index_cast %get3A_257 : i32 to index
          %get3A_259 = arith.index_cast %add3A_256 : i32 to index
          %get3A_260 = tpu.vector_load %arg10[%get3A_258, %get3A_259] {strides = array<i32>} : memref<1x4096xi32, #tpu.memory_space<vmem>>, vector<16xi32>,
          %gather3A_261 = tpu.vector_load_idx %arg7[%broadcast_in_dim3A_1, %broadcast_in_dim3A_1, %get3A_260] : memref<1x1x100001xf32, #tpu.memory_space<vmem>>[vector<16xi32>, vector<16xi32>, vector<16xi32>], vector<16xf32>,
          %add3A_262 = arith.constant 12288 : i32
          %add3A_263 = arith.addi %add3A_262, %add3A_256 : i32
          %get3A_264 = arith.constant 0 : i32
          %get3A_265 = arith.index_cast %get3A_264 : i32 to index
          %get3A_266 = arith.index_cast %add3A_263 : i32 to index
          %get3A_267 = tpu.vector_load %arg8[%get3A_265, %get3A_266] {strides = array<i32>} : memref<1x16384xf32, #tpu.memory_space<vmem>>, vector<16xf32>,
          %mul3A_268 = arith.mulf %mul3A_103, %gather3A_261 : vector<16xf32>
          %add3A_269 = arith.addf %get3A_267, %mul3A_268 : vector<16xf32>
          %swap3A_270 = arith.constant 0 : i32
          %swap3A_271 = arith.index_cast %swap3A_270 : i32 to index
          %swap3A_272 = arith.index_cast %add3A_263 : i32 to index
          %swap3A_273 = tpu.vector_load %arg8[%swap3A_271, %swap3A_272] {strides = array<i32>} : memref<1x16384xf32, #tpu.memory_space<vmem>>, vector<16xf32>,
          tpu.vector_store %arg8[%swap3A_271, %swap3A_272], %add3A_269 {strides = array<i32>} : memref<1x16384xf32, #tpu.memory_space<vmem>>, vector<16xf32>,
          %mul3A_274 = arith.constant 128 : i32
          %mul3A_275 = arith.muli %scan3A_170, %mul3A_274 : i32
          %add3A_276 = arith.constant 80 : i32
          %add3A_277 = arith.addi %mul3A_275, %add3A_276 : i32
          %get3A_278 = arith.constant 0 : i32
          %get3A_279 = arith.index_cast %get3A_278 : i32 to index
          %get3A_280 = arith.index_cast %add3A_277 : i32 to index
          %get3A_281 = tpu.vector_load %arg10[%get3A_279, %get3A_280] {strides = array<i32>} : memref<1x4096xi32, #tpu.memory_space<vmem>>, vector<16xi32>,
          %gather3A_282 = tpu.vector_load_idx %arg7[%broadcast_in_dim3A_1, %broadcast_in_dim3A_1, %get3A_281] : memref<1x1x100001xf32, #tpu.memory_space<vmem>>[vector<16xi32>, vector<16xi32>, vector<16xi32>], vector<16xf32>,
          %add3A_283 = arith.constant 12288 : i32
          %add3A_284 = arith.addi %add3A_283, %add3A_277 : i32
          %get3A_285 = arith.constant 0 : i32
          %get3A_286 = arith.index_cast %get3A_285 : i32 to index
          %get3A_287 = arith.index_cast %add3A_284 : i32 to index
          %get3A_288 = tpu.vector_load %arg8[%get3A_286, %get3A_287] {strides = array<i32>} : memref<1x16384xf32, #tpu.memory_space<vmem>>, vector<16xf32>,
          %mul3A_289 = arith.mulf %mul3A_103, %gather3A_282 : vector<16xf32>
          %add3A_290 = arith.addf %get3A_288, %mul3A_289 : vector<16xf32>
          %swap3A_291 = arith.constant 0 : i32
          %swap3A_292 = arith.index_cast %swap3A_291 : i32 to index
          %swap3A_293 = arith.index_cast %add3A_284 : i32 to index
          %swap3A_294 = tpu.vector_load %arg8[%swap3A_292, %swap3A_293] {strides = array<i32>} : memref<1x16384xf32, #tpu.memory_space<vmem>>, vector<16xf32>,
          tpu.vector_store %arg8[%swap3A_292, %swap3A_293], %add3A_290 {strides = array<i32>} : memref<1x16384xf32, #tpu.memory_space<vmem>>, vector<16xf32>,
          %mul3A_295 = arith.constant 128 : i32
          %mul3A_296 = arith.muli %scan3A_170, %mul3A_295 : i32
          %add3A_297 = arith.constant 96 : i32
          %add3A_298 = arith.addi %mul3A_296, %add3A_297 : i32
          %get3A_299 = arith.constant 0 : i32
          %get3A_300 = arith.index_cast %get3A_299 : i32 to index
          %get3A_301 = arith.index_cast %add3A_298 : i32 to index
          %get3A_302 = tpu.vector_load %arg10[%get3A_300, %get3A_301] {strides = array<i32>} : memref<1x4096xi32, #tpu.memory_space<vmem>>, vector<16xi32>,
          %gather3A_303 = tpu.vector_load_idx %arg7[%broadcast_in_dim3A_1, %broadcast_in_dim3A_1, %get3A_302] : memref<1x1x100001xf32, #tpu.memory_space<vmem>>[vector<16xi32>, vector<16xi32>, vector<16xi32>], vector<16xf32>,
          %add3A_304 = arith.constant 12288 : i32
          %add3A_305 = arith.addi %add3A_304, %add3A_298 : i32
          %get3A_306 = arith.constant 0 : i32
          %get3A_307 = arith.index_cast %get3A_306 : i32 to index
          %get3A_308 = arith.index_cast %add3A_305 : i32 to index
          %get3A_309 = tpu.vector_load %arg8[%get3A_307, %get3A_308] {strides = array<i32>} : memref<1x16384xf32, #tpu.memory_space<vmem>>, vector<16xf32>,
          %mul3A_310 = arith.mulf %mul3A_103, %gather3A_303 : vector<16xf32>
          %add3A_311 = arith.addf %get3A_309, %mul3A_310 : vector<16xf32>
          %swap3A_312 = arith.constant 0 : i32
          %swap3A_313 = arith.index_cast %swap3A_312 : i32 to index
          %swap3A_314 = arith.index_cast %add3A_305 : i32 to index
          %swap3A_315 = tpu.vector_load %arg8[%swap3A_313, %swap3A_314] {strides = array<i32>} : memref<1x16384xf32, #tpu.memory_space<vmem>>, vector<16xf32>,
          tpu.vector_store %arg8[%swap3A_313, %swap3A_314], %add3A_311 {strides = array<i32>} : memref<1x16384xf32, #tpu.memory_space<vmem>>, vector<16xf32>,
          %mul3A_316 = arith.constant 128 : i32
          %mul3A_317 = arith.muli %scan3A_170, %mul3A_316 : i32
          %add3A_318 = arith.constant 112 : i32
          %add3A_319 = arith.addi %mul3A_317, %add3A_318 : i32
          %get3A_320 = arith.constant 0 : i32
          %get3A_321 = arith.index_cast %get3A_320 : i32 to index
          %get3A_322 = arith.index_cast %add3A_319 : i32 to index
          %get3A_323 = tpu.vector_load %arg10[%get3A_321, %get3A_322] {strides = array<i32>} : memref<1x4096xi32, #tpu.memory_space<vmem>>, vector<16xi32>,
          %gather3A_324 = tpu.vector_load_idx %arg7[%broadcast_in_dim3A_1, %broadcast_in_dim3A_1, %get3A_323] : memref<1x1x100001xf32, #tpu.memory_space<vmem>>[vector<16xi32>, vector<16xi32>, vector<16xi32>], vector<16xf32>,
          %add3A_325 = arith.constant 12288 : i32
          %add3A_326 = arith.addi %add3A_325, %add3A_319 : i32
          %get3A_327 = arith.constant 0 : i32
          %get3A_328 = arith.index_cast %get3A_327 : i32 to index
          %get3A_329 = arith.index_cast %add3A_326 : i32 to index
          %get3A_330 = tpu.vector_load %arg8[%get3A_328, %get3A_329] {strides = array<i32>} : memref<1x16384xf32, #tpu.memory_space<vmem>>, vector<16xf32>,
          %mul3A_331 = arith.mulf %mul3A_103, %gather3A_324 : vector<16xf32>
          %add3A_332 = arith.addf %get3A_330, %mul3A_331 : vector<16xf32>
          %swap3A_333 = arith.constant 0 : i32
          %swap3A_334 = arith.index_cast %swap3A_333 : i32 to index
          %swap3A_335 = arith.index_cast %add3A_326 : i32 to index
          %swap3A_336 = tpu.vector_load %arg8[%swap3A_334, %swap3A_335] {strides = array<i32>} : memref<1x16384xf32, #tpu.memory_space<vmem>>, vector<16xf32>,
          tpu.vector_store %arg8[%swap3A_334, %swap3A_335], %add3A_332 {strides = array<i32>} : memref<1x16384xf32, #tpu.memory_space<vmem>>, vector<16xf32>,
        }
        %scan3A_169 = arith.constant 32 : i32
      }
      %scan3A_98 = arith.constant 25 : i32
      "tpu.region"() ({
        %run_scoped3A = tpu.sem_alloc : memref<!tpu.dma_semaphore, #tpu.memory_space<semaphore_mem>>
        %dma_start3A_99 = arith.constant 0 : i32
        %dma_start3A_100 = tpu.memref_slice %arg6[%add3A_10, %dma_start3A_99] : memref<64x16384xf32, #tpu.memory_space<hbm>> -> memref<1x16384xf32, #tpu.memory_space<hbm>>
        %dma_start3A_101 = arith.constant 0 : i32
        %dma_start3A_102 = tpu.memref_slice %arg6[%add3A_10, %dma_start3A_101] : memref<64x16384xf32, #tpu.memory_space<hbm>> -> memref<1x16384xf32, #tpu.memory_space<hbm>>
        tpu.enqueue_dma source(%arg8 : memref<1x16384xf32, #tpu.memory_space<vmem>>) target(%dma_start3A_102 : memref<1x16384xf32, #tpu.memory_space<hbm>>) target_semaphore(%run_scoped3A : memref<!tpu.dma_semaphore, #tpu.memory_space<semaphore_mem>>)
        %dma_wait3A_103 = arith.constant 0 : i32
        %dma_wait3A_104 = tpu.memref_slice %arg6[%add3A_10, %dma_wait3A_103] : memref<64x16384xf32, #tpu.memory_space<hbm>> -> memref<1x16384xf32, #tpu.memory_space<hbm>>
        %dma_wait3A_105 = arith.constant 0 : i32
        %dma_wait3A_106 = tpu.memref_slice %arg6[%add3A_10, %dma_wait3A_105] : memref<64x16384xf32, #tpu.memory_space<hbm>> -> memref<1x16384xf32, #tpu.memory_space<hbm>>
        tpu.wait_dma2 semaphore(%run_scoped3A : memref<!tpu.dma_semaphore, #tpu.memory_space<semaphore_mem>>) src(%arg8 : memref<1x16384xf32, #tpu.memory_space<vmem>>) dst(%dma_wait3A_106 : memref<1x16384xf32, #tpu.memory_space<hbm>>)
        tpu.yield
      }) : () -> ()
    }
    %scan3A_6 = arith.constant 2 : i32
    return
  }
}

</mosaic_0001>

<sc_bundles>
// kernel: kernel.3.cloned.1.call-start
scs
__scs_entry_jumppad:
0x0: {  	(pc) =	sbr.rel $0x88, $3  }
0x1: {  	(tag) =	ssettag $0x0;
	lr =	simm.s32 $0x1  }
0x2: {  	[smem:$0x3F9D] =	sst lr;
	_ =	strace $0xD0000000  }
0x3: {  	_ = 	snop  }
0x4: {  	_ = 	snop  }
0x5: {  	_ = 	snop  }
0x6: {  	_ = 	snop  }
0x7: {  	_ = 	snop  }
__scs_overlays_trampoline_lowered:
0x8: {  	[smem:$0x3FAC] =	sst s0  }
0x9: {  	[smem:$0x3FAD] =	sst s1  }
0xa: {  	[smem:$0x3FAE] =	sst s2  }
0xb: {  	[smem:$0x3FAF] =	sst s3  }
0xc: {  	[smem:$0x3FB0] =	sst s4  }
0xd: {  	[smem:$0x3FB1] =	sst s5  }
0xe: {  	[smem:$0x3FB2] =	sst s6  }
0xf: {  	[smem:$0x3FB3] =	sst s7  }
0x10: {  	[smem:$0x3FB4] =	sst s8  }
0x11: {  	[smem:$0x3FB5] =	sst s9;
	s0 =	simm.s32 @!p0 $0x0  }
0x12: {  	s1 =	sld [smem:$0x3F9B];
	s0 =	simm.s32 @p0 $0x1  }
0x13: {  	[smem:$0x3FB6] =	sst s0;
	s0 =	simm.s32 @!p1 $0x0  }
0x14: {  	s2 =	sld [smem:$0x3F9A];
	s0 =	simm.s32 @p1 $0x1  }
0x15: {  	[smem:$0x3FB7] =	sst s0;
	s0 =	simm.s32 @!p2 $0x0  }
0x16: {  	s3 =	sld [smem:$0x3FDB];
	s0 =	simm.s32 @p2 $0x1  }
0x17: {  	s4 =	simm.s32 $0x1BF5;
	[smem:$0x3FB9] =	sst s0  }
0x18: {  	s0 =	sld [smem:$0x3F9C];
	_ =	swait.ge [sflag:s4], $0x0  }
0x19: {  	s7 =	sld [smem:$0x3F9D]  }
0x1a: {  	s8 =	sadd.s32 $0xFFFFE003, lr  }
0x1b: {  	s9 =	sadd.s32 $0xFFFFFEF7, lr;
	s5 =	simm.s32 $0xFFFFFFFF;
	p2 =	slt.u32 s8, $0xFFFFF086  }
0x1c: {  	p1 =	slt.u32 s9, $0xF7A;
	s5 =	simm.s32 @!p2 $0x0  }
0x1d: {  	s5 =	simm.s32 @p1 $0x1;
	p0 =	seq.s32 s7, s2  }
0x1e: {  	s7 =	smul.u32 @!p0 $0xF7A, s2;
	p2 =	seq.s32 @!p0 s5, $0x0  }
0x1f: {  	s9 =	smul.u32 $0xF7A, s1;
	s8 =	simm.s32 @!p0 $0x1BF5;
	p2 =	por !p2, p0  }
0x20: {  	[sflag:s8] =	ssyncset.s32 @!p0 $0xFFFFF086;
	s6 =	sadd.s32 @!p0 s3, s7;
	s7 =	simm.s32 @!p0 $0x108  }
0x21: {  	s3 =	sadd.s32 s3, s9;
	s6 =	sadd.s32 @!p0 $0x88, s6;
	s7 =	simm.s32 @p2 $0x1082  }
0x22: {  	[simem:s7], [sflag:s8] =	dma.local @!p0 [hbm:s6], $0xF7A  }
0x23: {  	s9 =	sor.u32 $0xD0000000, s2;
	s6 =	simm.s32 $0x108;
	_ =	swait.ge @!p0 [sflag:s8], $0x0  }
0x24: {  	s3 =	sadd.s32 $0x88, s3;
	s6 =	simm.s32 @!p1 $0x1082;
	[sflag:s4] =	ssyncset.s32 $0xFFFFF086  }
0x25: {  	[simem:s6], [sflag:s4] =	dma.local [hbm:s3], $0xF7A  }
0x26: {  	[smem:$0x3F9D] =	sst s1;
	(tag) =	ssettag s2;
	_ =	strace s9  }
0x27: {  	s1 =	sld [smem:$0x3FAD]  }
0x28: {  	s2 =	sld [smem:$0x3FAE]  }
0x29: {  	s4 =	sld [smem:$0x3FB0]  }
0x2a: {  	p0 =	seq.s32 s5, $0x0;
	s5 =	sld [smem:$0x3FB1]  }
0x2b: {  	s6 =	sld [smem:$0x3FB2]  }
0x2c: {  	s7 =	sld [smem:$0x3FB3]  }
0x2d: {  	s3 =	simm.s32 $0x108;
	s8 =	sld [smem:$0x3FB4]  }
0x2e: {  	s3 =	simm.s32 @!p0 $0x1082;
	s9 =	sld [smem:$0x3FB5]  }
0x2f: {  	lr =	sadd.s32 s0, s3;
	s0 =	sld [smem:$0x3FAC]  }
0x30: {  	s3 =	sld [smem:$0x3FAF]  }
0x31: {  	[smem:$0x3FB8] =	sst s10  }
0x32: {  	s10 =	sld [smem:$0x3FB6];
	_ =	sdelay $0x3  }
0x33: {  	p0 =	seq.s32 s10, $0x1;
	s10 =	sld [smem:$0x3FB8];
	_ =	sdelay $0x3  }
0x34: {  	[smem:$0x3FB8] =	sst s10  }
0x35: {  	s10 =	sld [smem:$0x3FB7];
	_ =	sdelay $0x3  }
0x36: {  	p1 =	seq.s32 s10, $0x1;
	s10 =	sld [smem:$0x3FB8];
	_ =	sdelay $0x3  }
0x37: {  	[smem:$0x3FB8] =	sst s10  }
0x38: {  	s10 =	sld [smem:$0x3FB9]  }
0x39: {  	_ = 	snop;
	(pc) =	sbr.ind lr, $3  }
0x3a: {  	_ = 	snop  }
0x3b: {  	_ = 	snop  }
0x3c: {  	p2 =	seq.s32 s10, $0x1;
	s10 =	sld [smem:$0x3FB8]  }
0x3d: {  	_ =	shalt  }
0x3e: {  	_ =	shalt  }
0x3f: {  	_ =	shalt  }
0x40: {  	_ =	shalt  }
0x41: {  	_ =	shalt  }
0x42: {  	_ =	shalt  }
0x43: {  	_ =	shalt  }
0x44: {  	_ =	shalt  }
0x45: {  	_ =	shalt  }
0x46: {  	_ =	shalt  }
0x47: {  	_ =	shalt  }
0x48: {  	_ =	shalt  }
0x49: {  	_ =	shalt  }
0x4a: {  	_ =	shalt  }
0x4b: {  	_ =	shalt  }
0x4c: {  	_ =	shalt  }
0x4d: {  	_ =	shalt  }
0x4e: {  	_ =	shalt  }
0x4f: {  	_ =	shalt  }
0x50: {  	_ =	shalt  }
0x51: {  	_ =	shalt  }
0x52: {  	_ =	shalt  }
0x53: {  	_ =	shalt  }
0x54: {  	_ =	shalt  }
0x55: {  	_ =	shalt  }
0x56: {  	_ =	shalt  }
0x57: {  	_ =	shalt  }
0x58: {  	_ =	shalt  }
0x59: {  	_ =	shalt  }
0x5a: {  	_ =	shalt  }
0x5b: {  	_ =	shalt  }
0x5c: {  	_ =	shalt  }
0x5d: {  	_ =	shalt  }
0x5e: {  	_ =	shalt  }
0x5f: {  	_ =	shalt  }
0x60: {  	_ =	shalt  }
0x61: {  	_ =	shalt  }
0x62: {  	_ =	shalt  }
0x63: {  	_ =	shalt  }
0x64: {  	_ =	shalt  }
0x65: {  	_ =	shalt  }
0x66: {  	_ =	shalt  }
0x67: {  	_ =	shalt  }
0x68: {  	_ =	shalt  }
0x69: {  	_ =	shalt  }
0x6a: {  	_ =	shalt  }
0x6b: {  	_ =	shalt  }
0x6c: {  	_ =	shalt  }
0x6d: {  	_ =	shalt  }
0x6e: {  	_ =	shalt  }
0x6f: {  	_ =	shalt  }
0x70: {  	_ =	shalt  }
0x71: {  	_ =	shalt  }
0x72: {  	_ =	shalt  }
0x73: {  	_ =	shalt  }
0x74: {  	_ =	shalt  }
0x75: {  	_ =	shalt  }
0x76: {  	_ =	shalt  }
0x77: {  	_ =	shalt  }
0x78: {  	_ =	shalt  }
0x79: {  	_ =	shalt  }
0x7a: {  	_ =	shalt  }
0x7b: {  	_ =	shalt  }
0x7c: {  	_ =	shalt  }
0x7d: {  	_ =	shalt  }
0x7e: {  	_ =	shalt  }
0x7f: {  	_ =	shalt  }
0x80: {  	_ =	shalt  }
0x81: {  	_ =	shalt  }
0x82: {  	_ =	shalt  }
0x83: {  	_ =	shalt  }
0x84: {  	_ =	shalt  }
0x85: {  	_ =	shalt  }
0x86: {  	_ =	shalt  }
0x87: {  	_ =	shalt  }
.Lfunc_end0:
.L_simem_size_0:
called_computation_lowered:
.L_overlay_start_0:
0x88: {  	s2 =	sld [smem:$0x3FD9]  }
0x89: {  	s3 =	sld [smem:$0x3FFE];
	_ =	sdelay $0x1  }
0x8a: {  	s1 =	srdreg.scid  }
0x8b: {  	s0 =	sand.u32 $0x1, s1  }
0x8c: {  	s17 =	sshll.u32 s0, $0xA;
	s2 =	sadd.s32 s3, s2  }
0x8d: {  	s2 =	sadd.s32 s2, s17  }
0x8e: {  	[smem:$0x3FC4] =	sst s2  }
0x8f: {  	_ = 	snop  }
0x90: {  	s2 =	sld [smem:$0x3FC9]  }
0x91: {  	s18 =	sld [smem:$0x3FC8]  }
0x92: {  	s4 =	sld [smem:$0x3FC7]  }
0x93: {  	s5 =	sld [smem:$0x3FD0];
	(tm) =	ssettm $0x1  }
0x94: {  	s6 =	sld [smem:$0x3FFB];
	_ =	sdelay $0x3  }
0x95: {  	_ =	strace s6  }
0x96: {  	s6 =	sld [smem:$0x3FFC];
	_ =	sdelay $0x3  }
0x97: {  	_ =	strace s6  }
0x98: {  	s6 =	sld [smem:$0x3FFD];
	_ =	sdelay $0x3  }
0x99: {  	_ =	strace s6  }
0x9a: {  	_ =	strace $0x8FFFFFFF  }
0x9b: {  	s19 =	sld [smem:$0x3FDB];
	_ =	sdelay $0x1  }
0x9c: {  	s7 =	simm.s32 $_scs_section_size  }
0x9d: {  	s8 =	simm.s32 $_size__tile_overlayer_lowered;
	s9 =	simm.s32 $_tile_overlayer_lowered  }
0x9e: {  	s22 =	simm.s32 $0x1BFF;
	s21 =	sshll.u32 s9, $0x1;
	s6 =	sadd.s32 s7, s19  }
0x9f: {  	s10 =	simm.s32 $0x0;
	s20 =	sshll.u32 s8, $0x1;
	s8 =	sadd.s32 s21, s6  }
0xa0: {  	[timem:s10], [sflag:s22] =	dma.local [hbm:s8], s20  }
0xa1: {  	_ =	swait.ge [sflag:s22], s20  }
0xa2: {  	s7 =	ssub.s32 $0x0, s20;
	[sflag:s22] =	ssyncset.done $0x0  }
0xa3: {  	[sflag:s22] =	ssyncadd.s32 s7;
	_ =	sdelay $0x1  }
0xa4: {  	s23 =	simm.s32 $0x1B8B  }
0xa5: {  	_ =	swait.ge [sflag:s23], $0x1  }
0xa6: {  	[sflag:s23] =	ssyncset.done $0x0  }
0xa7: {  	s25 =	simm.s32 $0x1B8E;
	s24 =	sld [smem:$0x3FFE];
	[sflag:s23] =	ssyncadd.s32 $0xFFFFFFFF  }
0xa8: {  	s26 =	simm.s32 $execute0_lowered;
	[smem:$0x3FD2] =	sst s25  }
0xa9: {  	s8 =	sshll.u32 s26, $0x1;
	_ =	strace $0x80000046;
	[dreg:$0x1] =	wrdreg $0xFFFFFFFF  }
0xaa: {  	s28 =	simm.s32 $_size_execute0_lowered;
	s6 =	sadd.s32 s6, s8;
	[dreg:$0x0] =	wrdreg $0x0  }
0xab: {  	s8 =	sshll.u32 s28, $0x1;
	[dreg:$0x2] =	wrdreg s6  }
0xac: {  	[dreg:$0x3] =	wrdreg s8  }
0xad: {  	[dreg:$0x4] =	wrdreg $0xC0  }
0xae: {  	_ =	task [dreg:s10], $0x5FFFF  }
0xaf: {  	[dreg:$0x1] =	wrdreg $0xFFFFFFFF  }
0xb0: {  	[dreg:$0x0] =	wrdreg $0x60  }
0xb1: {  	[dreg:$0x2] =	wrdreg s18  }
0xb2: {  	[dreg:$0x3] =	wrdreg s4  }
0xb3: {  	[dreg:$0x4] =	wrdreg s2  }
0xb4: {  	[dreg:$0x5] =	wrdreg s24  }
0xb5: {  	[dreg:$0x6] =	wrdreg s5  }
0xb6: {  	[dreg:$0x7] =	wrdreg $0x9  }
0xb7: {  	_ =	task.clear_ibuf [dreg:s10], $0x8FFFF;
	_ =	strace $0x90000046  }
0xb8: {  	s29 =	simm.s32 $0x9;
	_ =	strace $0x80000048  }
0xb9: {  	_ =	swait.ge [sflag:s29], $0x1  }
0xba: {  	[sflag:s29] =	ssyncadd.s32 $0xFFFFFFFF  }
0xbb: {  	_ =	strace $0x90000048  }
0xbc: {  	_ =	sfence  }
0xbd: {  	s30 =	sld [smem:$0x0];
	_ =	sdelay $0x2  }
0xbe: {  	s31 =	sshll.u32 s1, $0xD;
	s1 =	sshrl.u32 s1, $0x2  }
0xbf: {  	s3 =	sand.u32 $0x4000, s31;
	s1 =	sadd.s32 s1, s30  }
0xc0: {  	s0 =	sor.u32 s3, s0;
	s1 =	sshll.u32 s1, $0x11  }
0xc1: {  	s0 =	sor.u32 s1, s0  }
0xc2: {  	s0 =	sadd.s32 $0x8F2B, s0  }
0xc3: {  	[sflag:s0] =	ssyncadd.remote.s32 $0x1  }
0xc4: {  	_ =	sfence.sel $0xFFFF  }
0xc5: {  	[dreg:$0x0] =	wrdreg $0xFFFFFFFF;
	(pc) =	sbr.abs _section_cstart, $3  }
0xc6: {  	[dreg:$0x1] =	wrdreg $0xFFFFFFFF  }
0xc7: {  	_ =	task.clear_ibuf [dreg:s10], $0x2FFFF;
	_ =	strace $0x9FFFFFFF  }
0xc8: {  	(tm) =	ssettm $0x7FFFFFFF  }
0xc9: {  	_ =	shalt  }
tec
execute0_lowered:
.L_overlay_start_1:
0x0: {  	(tag) =	ssettag $0x1  }
0x1: {  	s1 =	rddreg [dreg:$0x0]  }
0x2: {  	s2 =	rddreg [dreg:$0x1]  }
0x3: {  	s3 =	rddreg [dreg:$0x2]  }
0x4: {  	s0 =	rddreg [dreg:$0x3]  }
0x5: {  	s4 =	rddreg [dreg:$0x4];
	s6 =	srdreg.scid;
	s5 =	simm.s32 $0x0  }
0x6: {  	s10 =	stileid.u32;
	s15 =	simm.s32 $0x1E700;
	s16 =	simm.s32 $0x4  }
0x7: {  	s17 =	simm.s32 $0x80;
	s18 =	simm.s32 $0x400;
	s19 =	simm.s32 $0x1C700  }
0x8: {  	s20 =	simm.s32 $0x1;
	s21 =	simm.s32 $0x1D700;
	s22 =	simm.s32 $0x2  }
0x9: {  	s23 =	simm.s32 $0x3;
	s24 =	simm.s32 $0x18700;
	s25 =	simm.s32 $0x0  }
0xa: {  	s6 =	sand.u32 $0x1, s6;
	[smem:$0x7FF] =	sst s5;
	s7 =	sadd.s32 $0x400, s0  }
0xb: {  	s12 =	sshrl.u32 s10, $0x1;
	s14 =	sshll.u32 s10, $0x9;
	s10 =	sadd.s32 $0x2000, s3  }
0xc: {  	s11 =	sadd.s32 $0x3000, s3;
	s8 =	ssub.s32 $0x2, s6;
	_ =	strace $0x80000047  }
0xd: {  	s6 =	sshll.u32 s6, $0x8;
	s31 =	sand.u32 $0x200, s14;
	s9 =	sshrl.u32 s8, $0x1  }
0xe: {  	s14 =	sor.u32 s6, s31;
	s30 =	ssub.s32 s8, s9;
	s8 =	smul.u32 $0xC3800, s12  }
0xf: {  	v0 =	vlaneseq.u32;
	s9 =	sadd.s32 $0x1000, s3;
	s12 =	sshll.u32 s12, $0x11;
	s13 =	smax.u32 s30, $0x1  }
.LBB2_1:
0x10: {  	[tilespmem:s15], [sflag:$0x4] =	stream.linear.gather [hbm4b:s7+s5], $0xC80, $0x38;
	[tilespmem:$0x1F700] =	vst v63  }
0x11: {  	_ =	swait.ge [sflag:s16], $0xC80  }
0x12: {  	[sflag:s16] =	ssyncset.done $0x0  }
0x13: {  	p1 =	por $0x1, $0x1;
	s0 =	simm.s32 $0x0;
	[sflag:s16] =	ssyncadd.s32 $0xFFFFF380  }
.LBB2_2:
0x14: {  	s26 =	sor.u32 s14, s0  }
0x15: {  	s28 =	sor.u32 s8, s26  }
0x16: {  	s31 =	sshrl.u32 s28, $0x3  }
0x17: {  	s6 =	simm.s32 $0x0;
	s0 =	sadd.s32 s1, s31  }
0x18: {  	[tilespmem:s6], [sflag:$0x1] =	stream.strided.gather [hbm4b:s0+s17], $0x18700, s18, s17, $0x38;
	[tilespmem:$0x1F700] =	vst v63  }
0x19: {  	_ = 	snop  }
0x1a: {  	[tilespmem:s19], [sflag:$0x2] =	stream.strided.gather [hbm4b:s3+s17], $0x1000, s18, s17, $0x38;
	[tilespmem:$0x1F700] =	vst v63  }
0x1b: {  	_ =	swait.ge [sflag:s20], $0x18700  }
0x1c: {  	[sflag:s20] =	ssyncset.done $0x0  }
0x1d: {  	[sflag:s20] =	ssyncadd.s32 $0xFFFE7900  }
0x1e: {  	[tilespmem:s21], [sflag:$0x3] =	stream.strided.gather [hbm4b:s9+s17], $0x1000, s18, s17, $0x38;
	[tilespmem:$0x1F700] =	vst v63  }
0x1f: {  	_ =	swait.ge [sflag:s22], $0x1000  }
0x20: {  	[sflag:s22] =	ssyncset.done $0x0  }
0x21: {  	s0 =	simm.s32 $0x0;
	[sflag:s22] =	ssyncadd.s32 $0xFFFFF000  }
0x22: {  	v1 =	vld [tilespmem:s0+$0x1C700];
	_ =	sdelay $0x5  }
0x23: {  	v2 =	vld [tilespmem:s0+$0x1C710];
	_ =	sdelay $0x1  }
0x24: {  	v1 =	vld.idx.msk [tilespmem:v1+s5+$0x0], $0xffff;
	_ =	sdelay $0x4  }
0x25: {  	[tilespmem:s0+$0x18700] =	vst v1;
	v1 =	vld [tilespmem:s0+$0x1C720]  }
0x26: {  	v2 =	vld.idx.msk [tilespmem:v2+s5+$0x0], $0xffff;
	_ =	sdelay $0x4  }
0x27: {  	[tilespmem:s0+$0x18710] =	vst v2;
	v2 =	vld [tilespmem:s0+$0x1C730];
	_ =	sdelay $0x1  }
0x28: {  	v1 =	vld.idx.msk [tilespmem:v1+s5+$0x0], $0xffff;
	_ =	sdelay $0x4  }
0x29: {  	[tilespmem:s0+$0x18720] =	vst v1;
	v1 =	vld [tilespmem:s0+$0x1C740]  }
0x2a: {  	v2 =	vld.idx.msk [tilespmem:v2+s5+$0x0], $0xffff;
	_ =	sdelay $0x4  }
0x2b: {  	[tilespmem:s0+$0x18730] =	vst v2;
	v2 =	vld [tilespmem:s0+$0x1C750];
	_ =	sdelay $0x1  }
0x2c: {  	v1 =	vld.idx.msk [tilespmem:v1+s5+$0x0], $0xffff;
	_ =	sdelay $0x4  }
0x2d: {  	v3 =	vld [tilespmem:s0+$0x1C760];
	[tilespmem:s0+$0x18740] =	vst v1  }
0x2e: {  	v1 =	vld.idx.msk [tilespmem:v2+s5+$0x0], $0xffff;
	_ =	sdelay $0x4  }
0x2f: {  	[tilespmem:s0+$0x18750] =	vst v1;
	v1 =	vld [tilespmem:s0+$0x1C770];
	_ =	sdelay $0x1  }
0x30: {  	v2 =	vld.idx.msk [tilespmem:v3+s5+$0x0], $0xffff;
	_ =	sdelay $0x3  }
0x31: {  	p0 =	por p1, p1;
	s29 =	simm.s32 $0x400;
	s6 =	simm.s32 $0x80  }
.LBB2_3:
0x32: {  	p1 =	sne.s32 s29, $0x3E00;
	v3 =	vld [tilespmem:s6+$0x1C700];
	[tilespmem:s0+$0x18760] =	vst v2  }
0x33: {  	v1 =	vld.idx.msk [tilespmem:v1+s5+$0x0], $0xffff;
	_ =	sdelay $0x5  }
0x34: {  	v2 =	vld [tilespmem:s6+$0x1C710];
	[tilespmem:s0+$0x18770] =	vst v1;
	s0 =	smov.u32 s6  }
0x35: {  	v1 =	vld.idx.msk [tilespmem:v3+s5+$0x0], $0xffff;
	_ =	sdelay $0x5  }
0x36: {  	[tilespmem:s0+$0x18700] =	vst v1;
	v1 =	vld [tilespmem:s0+$0x1C720]  }
0x37: {  	v2 =	vld.idx.msk [tilespmem:v2+s5+$0x0], $0xffff;
	_ =	sdelay $0x5  }
0x38: {  	[tilespmem:s0+$0x18710] =	vst v2;
	v2 =	vld [tilespmem:s0+$0x1C730]  }
0x39: {  	v1 =	vld.idx.msk [tilespmem:v1+s5+$0x0], $0xffff;
	_ =	sdelay $0x5  }
0x3a: {  	[tilespmem:s0+$0x18720] =	vst v1;
	v1 =	vld [tilespmem:s0+$0x1C740]  }
0x3b: {  	v2 =	vld.idx.msk [tilespmem:v2+s5+$0x0], $0xffff;
	_ =	sdelay $0x5  }
0x3c: {  	[tilespmem:s0+$0x18730] =	vst v2;
	v2 =	vld [tilespmem:s0+$0x1C750]  }
0x3d: {  	v1 =	vld.idx.msk [tilespmem:v1+s5+$0x0], $0xffff;
	_ =	sdelay $0x5  }
0x3e: {  	[tilespmem:s0+$0x18740] =	vst v1;
	v3 =	vld [tilespmem:s0+$0x1C760]  }
0x3f: {  	v1 =	vld.idx.msk [tilespmem:v2+s5+$0x0], $0xffff;
	_ =	sdelay $0x5  }
0x40: {  	[tilespmem:s0+$0x18750] =	vst v1;
	v1 =	vld [tilespmem:s0+$0x1C770]  }
0x41: {  	v2 =	vld.idx.msk [tilespmem:v3+s5+$0x0], $0xffff  }
.Ltmp0:
0x42: {  	(pc) =	sbr.rel @p1 .LBB2_3-.Ltmp0, $2  }
0x43: {  	_ =	sdelay $0x2  }
0x44: {  	s6 =	sshra.s32 s29, $0x2;
	s29 =	sadd.s32 $0x200, s29  }
0x45: {  	_ =	sdelay $0x1  }
0x46: {  	v3 =	vld [tilespmem:s6+$0x1C700]  }
0x47: {  	[tilespmem:s0+$0x18760] =	vst v2  }
0x48: {  	v1 =	vld.idx.msk [tilespmem:v1+s5+$0x0], $0xffff;
	_ =	sdelay $0x3  }
0x49: {  	v2 =	vld [tilespmem:s6+$0x1C710]  }
0x4a: {  	[tilespmem:s0+$0x18770] =	vst v1  }
0x4b: {  	v1 =	vld.idx.msk [tilespmem:v3+s5+$0x0], $0xffff;
	_ =	sdelay $0x4  }
0x4c: {  	[tilespmem:s6+$0x18700] =	vst v1;
	v1 =	vld [tilespmem:s6+$0x1C720]  }
0x4d: {  	v2 =	vld.idx.msk [tilespmem:v2+s5+$0x0], $0xffff;
	_ =	sdelay $0x4  }
0x4e: {  	[tilespmem:s6+$0x18710] =	vst v2;
	v2 =	vld [tilespmem:s6+$0x1C730];
	_ =	sdelay $0x1  }
0x4f: {  	v1 =	vld.idx.msk [tilespmem:v1+s5+$0x0], $0xffff;
	_ =	sdelay $0x4  }
0x50: {  	[tilespmem:s6+$0x18720] =	vst v1;
	v1 =	vld [tilespmem:s6+$0x1C740]  }
0x51: {  	v2 =	vld.idx.msk [tilespmem:v2+s5+$0x0], $0xffff;
	_ =	sdelay $0x4  }
0x52: {  	[tilespmem:s6+$0x18730] =	vst v2;
	v2 =	vld [tilespmem:s6+$0x1C750];
	_ =	sdelay $0x1  }
0x53: {  	v1 =	vld.idx.msk [tilespmem:v1+s5+$0x0], $0xffff;
	_ =	sdelay $0x4  }
0x54: {  	[tilespmem:s6+$0x18740] =	vst v1;
	v1 =	vld [tilespmem:s6+$0x1C760]  }
0x55: {  	v2 =	vld.idx.msk [tilespmem:v2+s5+$0x0], $0xffff;
	_ =	sdelay $0x4  }
0x56: {  	[tilespmem:s6+$0x18750] =	vst v2;
	v2 =	vld [tilespmem:s6+$0x1C770];
	_ =	sdelay $0x1  }
0x57: {  	v1 =	vld.idx.msk [tilespmem:v1+s5+$0x0], $0xffff;
	_ =	sdelay $0x4  }
0x58: {  	[tilespmem:s6+$0x18760] =	vst v1  }
0x59: {  	v1 =	vld.idx.msk [tilespmem:v2+s5+$0x0], $0xffff;
	_ =	sdelay $0x4  }
0x5a: {  	[tilespmem:s6+$0x18770] =	vst v1  }
0x5b: {  	[tilespmem:s19], [sflag:$0x2] =	stream.strided.gather [hbm4b:s10+s17], $0x1000, s18, s17, $0x38;
	[tilespmem:$0x1F700] =	vst v63  }
0x5c: {  	_ =	swait.ge [sflag:s23], $0x1000  }
0x5d: {  	[sflag:s23] =	ssyncset.done $0x0  }
0x5e: {  	s0 =	simm.s32 $0x0;
	[sflag:s23] =	ssyncadd.s32 $0xFFFFF000  }
0x5f: {  	v1 =	vld [tilespmem:s0+$0x1D700];
	_ =	sdelay $0x5  }
0x60: {  	v2 =	vld [tilespmem:s0+$0x1D710];
	_ =	sdelay $0x1  }
0x61: {  	v1 =	vld.idx.msk [tilespmem:v1+s5+$0x0], $0xffff;
	_ =	sdelay $0x4  }
0x62: {  	[tilespmem:s0+$0x19700] =	vst v1;
	v1 =	vld [tilespmem:s0+$0x1D720]  }
0x63: {  	v2 =	vld.idx.msk [tilespmem:v2+s5+$0x0], $0xffff;
	_ =	sdelay $0x4  }
0x64: {  	[tilespmem:s0+$0x19710] =	vst v2;
	v2 =	vld [tilespmem:s0+$0x1D730];
	_ =	sdelay $0x1  }
0x65: {  	v1 =	vld.idx.msk [tilespmem:v1+s5+$0x0], $0xffff;
	_ =	sdelay $0x4  }
0x66: {  	[tilespmem:s0+$0x19720] =	vst v1;
	v1 =	vld [tilespmem:s0+$0x1D740]  }
0x67: {  	v2 =	vld.idx.msk [tilespmem:v2+s5+$0x0], $0xffff;
	_ =	sdelay $0x4  }
0x68: {  	[tilespmem:s0+$0x19730] =	vst v2;
	v2 =	vld [tilespmem:s0+$0x1D750];
	_ =	sdelay $0x1  }
0x69: {  	v1 =	vld.idx.msk [tilespmem:v1+s5+$0x0], $0xffff;
	_ =	sdelay $0x4  }
0x6a: {  	v3 =	vld [tilespmem:s0+$0x1D760];
	[tilespmem:s0+$0x19740] =	vst v1  }
0x6b: {  	v1 =	vld.idx.msk [tilespmem:v2+s5+$0x0], $0xffff;
	_ =	sdelay $0x4  }
0x6c: {  	[tilespmem:s0+$0x19750] =	vst v1;
	v1 =	vld [tilespmem:s0+$0x1D770];
	_ =	sdelay $0x1  }
0x6d: {  	v2 =	vld.idx.msk [tilespmem:v3+s5+$0x0], $0xffff;
	_ =	sdelay $0x3  }
0x6e: {  	s29 =	simm.s32 $0x400;
	s6 =	simm.s32 $0x80  }
.LBB2_5:
0x6f: {  	p1 =	sne.s32 s29, $0x3E00;
	v3 =	vld [tilespmem:s6+$0x1D700];
	[tilespmem:s0+$0x19760] =	vst v2  }
0x70: {  	v1 =	vld.idx.msk [tilespmem:v1+s5+$0x0], $0xffff;
	_ =	sdelay $0x5  }
0x71: {  	v2 =	vld [tilespmem:s6+$0x1D710];
	[tilespmem:s0+$0x19770] =	vst v1;
	s0 =	smov.u32 s6  }
0x72: {  	v1 =	vld.idx.msk [tilespmem:v3+s5+$0x0], $0xffff;
	_ =	sdelay $0x5  }
0x73: {  	[tilespmem:s0+$0x19700] =	vst v1;
	v1 =	vld [tilespmem:s0+$0x1D720]  }
0x74: {  	v2 =	vld.idx.msk [tilespmem:v2+s5+$0x0], $0xffff;
	_ =	sdelay $0x5  }
0x75: {  	[tilespmem:s0+$0x19710] =	vst v2;
	v2 =	vld [tilespmem:s0+$0x1D730]  }
0x76: {  	v1 =	vld.idx.msk [tilespmem:v1+s5+$0x0], $0xffff;
	_ =	sdelay $0x5  }
0x77: {  	[tilespmem:s0+$0x19720] =	vst v1;
	v1 =	vld [tilespmem:s0+$0x1D740]  }
0x78: {  	v2 =	vld.idx.msk [tilespmem:v2+s5+$0x0], $0xffff;
	_ =	sdelay $0x5  }
0x79: {  	[tilespmem:s0+$0x19730] =	vst v2;
	v2 =	vld [tilespmem:s0+$0x1D750]  }
0x7a: {  	v1 =	vld.idx.msk [tilespmem:v1+s5+$0x0], $0xffff;
	_ =	sdelay $0x5  }
0x7b: {  	[tilespmem:s0+$0x19740] =	vst v1;
	v3 =	vld [tilespmem:s0+$0x1D760]  }
0x7c: {  	v1 =	vld.idx.msk [tilespmem:v2+s5+$0x0], $0xffff;
	_ =	sdelay $0x5  }
0x7d: {  	[tilespmem:s0+$0x19750] =	vst v1;
	v1 =	vld [tilespmem:s0+$0x1D770]  }
0x7e: {  	v2 =	vld.idx.msk [tilespmem:v3+s5+$0x0], $0xffff  }
.Ltmp1:
0x7f: {  	(pc) =	sbr.rel @p1 .LBB2_5-.Ltmp1, $2  }
0x80: {  	_ =	sdelay $0x2  }
0x81: {  	s6 =	sshra.s32 s29, $0x2;
	s29 =	sadd.s32 $0x200, s29  }
0x82: {  	_ =	sdelay $0x1  }
0x83: {  	v3 =	vld [tilespmem:s6+$0x1D700]  }
0x84: {  	[tilespmem:s0+$0x19760] =	vst v2  }
0x85: {  	v1 =	vld.idx.msk [tilespmem:v1+s5+$0x0], $0xffff;
	_ =	sdelay $0x3  }
0x86: {  	v2 =	vld [tilespmem:s6+$0x1D710]  }
0x87: {  	[tilespmem:s0+$0x19770] =	vst v1  }
0x88: {  	v1 =	vld.idx.msk [tilespmem:v3+s5+$0x0], $0xffff;
	_ =	sdelay $0x4  }
0x89: {  	[tilespmem:s6+$0x19700] =	vst v1;
	v1 =	vld [tilespmem:s6+$0x1D720]  }
0x8a: {  	v2 =	vld.idx.msk [tilespmem:v2+s5+$0x0], $0xffff;
	_ =	sdelay $0x4  }
0x8b: {  	[tilespmem:s6+$0x19710] =	vst v2;
	v2 =	vld [tilespmem:s6+$0x1D730];
	_ =	sdelay $0x1  }
0x8c: {  	v1 =	vld.idx.msk [tilespmem:v1+s5+$0x0], $0xffff;
	_ =	sdelay $0x4  }
0x8d: {  	[tilespmem:s6+$0x19720] =	vst v1;
	v1 =	vld [tilespmem:s6+$0x1D740]  }
0x8e: {  	v2 =	vld.idx.msk [tilespmem:v2+s5+$0x0], $0xffff;
	_ =	sdelay $0x4  }
0x8f: {  	[tilespmem:s6+$0x19730] =	vst v2;
	v2 =	vld [tilespmem:s6+$0x1D750];
	_ =	sdelay $0x1  }
0x90: {  	v1 =	vld.idx.msk [tilespmem:v1+s5+$0x0], $0xffff;
	_ =	sdelay $0x4  }
0x91: {  	[tilespmem:s6+$0x19740] =	vst v1;
	v1 =	vld [tilespmem:s6+$0x1D760]  }
0x92: {  	v2 =	vld.idx.msk [tilespmem:v2+s5+$0x0], $0xffff;
	_ =	sdelay $0x4  }
0x93: {  	[tilespmem:s6+$0x19750] =	vst v2;
	v2 =	vld [tilespmem:s6+$0x1D770];
	_ =	sdelay $0x1  }
0x94: {  	v1 =	vld.idx.msk [tilespmem:v1+s5+$0x0], $0xffff;
	_ =	sdelay $0x4  }
0x95: {  	[tilespmem:s6+$0x19760] =	vst v1  }
0x96: {  	v1 =	vld.idx.msk [tilespmem:v2+s5+$0x0], $0xffff;
	_ =	sdelay $0x4  }
0x97: {  	[tilespmem:s6+$0x19770] =	vst v1  }
0x98: {  	[tilespmem:s21], [sflag:$0x3] =	stream.strided.gather [hbm4b:s11+s17], $0x1000, s18, s17, $0x38;
	[tilespmem:$0x1F700] =	vst v63  }
0x99: {  	_ =	swait.ge [sflag:s22], $0x1000  }
0x9a: {  	[sflag:s22] =	ssyncset.done $0x0  }
0x9b: {  	s0 =	simm.s32 $0x0;
	[sflag:s22] =	ssyncadd.s32 $0xFFFFF000  }
0x9c: {  	v1 =	vld [tilespmem:s0+$0x1C700];
	_ =	sdelay $0x5  }
0x9d: {  	v2 =	vld [tilespmem:s0+$0x1C710];
	_ =	sdelay $0x1  }
0x9e: {  	v1 =	vld.idx.msk [tilespmem:v1+s5+$0x0], $0xffff;
	_ =	sdelay $0x4  }
0x9f: {  	[tilespmem:s0+$0x1A700] =	vst v1;
	v1 =	vld [tilespmem:s0+$0x1C720]  }
0xa0: {  	v2 =	vld.idx.msk [tilespmem:v2+s5+$0x0], $0xffff;
	_ =	sdelay $0x4  }
0xa1: {  	[tilespmem:s0+$0x1A710] =	vst v2;
	v2 =	vld [tilespmem:s0+$0x1C730];
	_ =	sdelay $0x1  }
0xa2: {  	v1 =	vld.idx.msk [tilespmem:v1+s5+$0x0], $0xffff;
	_ =	sdelay $0x4  }
0xa3: {  	[tilespmem:s0+$0x1A720] =	vst v1;
	v1 =	vld [tilespmem:s0+$0x1C740]  }
0xa4: {  	v2 =	vld.idx.msk [tilespmem:v2+s5+$0x0], $0xffff;
	_ =	sdelay $0x4  }
0xa5: {  	[tilespmem:s0+$0x1A730] =	vst v2;
	v2 =	vld [tilespmem:s0+$0x1C750];
	_ =	sdelay $0x1  }
0xa6: {  	v1 =	vld.idx.msk [tilespmem:v1+s5+$0x0], $0xffff;
	_ =	sdelay $0x4  }
0xa7: {  	v3 =	vld [tilespmem:s0+$0x1C760];
	[tilespmem:s0+$0x1A740] =	vst v1  }
0xa8: {  	v1 =	vld.idx.msk [tilespmem:v2+s5+$0x0], $0xffff;
	_ =	sdelay $0x4  }
0xa9: {  	[tilespmem:s0+$0x1A750] =	vst v1;
	v1 =	vld [tilespmem:s0+$0x1C770];
	_ =	sdelay $0x1  }
0xaa: {  	v2 =	vld.idx.msk [tilespmem:v3+s5+$0x0], $0xffff;
	_ =	sdelay $0x3  }
0xab: {  	s29 =	simm.s32 $0x400;
	s6 =	simm.s32 $0x80  }
.LBB2_7:
0xac: {  	p1 =	sne.s32 s29, $0x3E00;
	v3 =	vld [tilespmem:s6+$0x1C700];
	[tilespmem:s0+$0x1A760] =	vst v2  }
0xad: {  	v1 =	vld.idx.msk [tilespmem:v1+s5+$0x0], $0xffff;
	_ =	sdelay $0x5  }
0xae: {  	v2 =	vld [tilespmem:s6+$0x1C710];
	[tilespmem:s0+$0x1A770] =	vst v1;
	s0 =	smov.u32 s6  }
0xaf: {  	v1 =	vld.idx.msk [tilespmem:v3+s5+$0x0], $0xffff;
	_ =	sdelay $0x5  }
0xb0: {  	[tilespmem:s0+$0x1A700] =	vst v1;
	v1 =	vld [tilespmem:s0+$0x1C720]  }
0xb1: {  	v2 =	vld.idx.msk [tilespmem:v2+s5+$0x0], $0xffff;
	_ =	sdelay $0x5  }
0xb2: {  	[tilespmem:s0+$0x1A710] =	vst v2;
	v2 =	vld [tilespmem:s0+$0x1C730]  }
0xb3: {  	v1 =	vld.idx.msk [tilespmem:v1+s5+$0x0], $0xffff;
	_ =	sdelay $0x5  }
0xb4: {  	[tilespmem:s0+$0x1A720] =	vst v1;
	v1 =	vld [tilespmem:s0+$0x1C740]  }
0xb5: {  	v2 =	vld.idx.msk [tilespmem:v2+s5+$0x0], $0xffff;
	_ =	sdelay $0x5  }
0xb6: {  	[tilespmem:s0+$0x1A730] =	vst v2;
	v2 =	vld [tilespmem:s0+$0x1C750]  }
0xb7: {  	v1 =	vld.idx.msk [tilespmem:v1+s5+$0x0], $0xffff;
	_ =	sdelay $0x5  }
0xb8: {  	[tilespmem:s0+$0x1A740] =	vst v1;
	v3 =	vld [tilespmem:s0+$0x1C760]  }
0xb9: {  	v1 =	vld.idx.msk [tilespmem:v2+s5+$0x0], $0xffff;
	_ =	sdelay $0x5  }
0xba: {  	[tilespmem:s0+$0x1A750] =	vst v1;
	v1 =	vld [tilespmem:s0+$0x1C770]  }
0xbb: {  	v2 =	vld.idx.msk [tilespmem:v3+s5+$0x0], $0xffff  }
.Ltmp2:
0xbc: {  	(pc) =	sbr.rel @p1 .LBB2_7-.Ltmp2, $2  }
0xbd: {  	_ =	sdelay $0x2  }
0xbe: {  	s6 =	sshra.s32 s29, $0x2;
	s29 =	sadd.s32 $0x200, s29  }
0xbf: {  	_ =	sdelay $0x1  }
0xc0: {  	v3 =	vld [tilespmem:s6+$0x1C700]  }
0xc1: {  	[tilespmem:s0+$0x1A760] =	vst v2  }
0xc2: {  	v1 =	vld.idx.msk [tilespmem:v1+s5+$0x0], $0xffff;
	_ =	sdelay $0x3  }
0xc3: {  	v2 =	vld [tilespmem:s6+$0x1C710]  }
0xc4: {  	[tilespmem:s0+$0x1A770] =	vst v1  }
0xc5: {  	v1 =	vld.idx.msk [tilespmem:v3+s5+$0x0], $0xffff;
	_ =	sdelay $0x4  }
0xc6: {  	[tilespmem:s6+$0x1A700] =	vst v1;
	v1 =	vld [tilespmem:s6+$0x1C720]  }
0xc7: {  	v2 =	vld.idx.msk [tilespmem:v2+s5+$0x0], $0xffff;
	_ =	sdelay $0x4  }
0xc8: {  	[tilespmem:s6+$0x1A710] =	vst v2;
	v2 =	vld [tilespmem:s6+$0x1C730];
	_ =	sdelay $0x1  }
0xc9: {  	v1 =	vld.idx.msk [tilespmem:v1+s5+$0x0], $0xffff;
	_ =	sdelay $0x4  }
0xca: {  	[tilespmem:s6+$0x1A720] =	vst v1;
	v1 =	vld [tilespmem:s6+$0x1C740]  }
0xcb: {  	v2 =	vld.idx.msk [tilespmem:v2+s5+$0x0], $0xffff;
	_ =	sdelay $0x4  }
0xcc: {  	[tilespmem:s6+$0x1A730] =	vst v2;
	v2 =	vld [tilespmem:s6+$0x1C750];
	_ =	sdelay $0x1  }
0xcd: {  	v1 =	vld.idx.msk [tilespmem:v1+s5+$0x0], $0xffff;
	_ =	sdelay $0x4  }
0xce: {  	[tilespmem:s6+$0x1A740] =	vst v1;
	v1 =	vld [tilespmem:s6+$0x1C760]  }
0xcf: {  	v2 =	vld.idx.msk [tilespmem:v2+s5+$0x0], $0xffff;
	_ =	sdelay $0x4  }
0xd0: {  	[tilespmem:s6+$0x1A750] =	vst v2;
	v2 =	vld [tilespmem:s6+$0x1C770];
	_ =	sdelay $0x1  }
0xd1: {  	v1 =	vld.idx.msk [tilespmem:v1+s5+$0x0], $0xffff;
	_ =	sdelay $0x4  }
0xd2: {  	[tilespmem:s6+$0x1A760] =	vst v1  }
0xd3: {  	v1 =	vld.idx.msk [tilespmem:v2+s5+$0x0], $0xffff;
	_ =	sdelay $0x4  }
0xd4: {  	[tilespmem:s6+$0x1A770] =	vst v1  }
0xd5: {  	_ =	swait.ge [sflag:s23], $0x1000  }
0xd6: {  	[sflag:s23] =	ssyncset.done $0x0  }
0xd7: {  	s0 =	simm.s32 $0x0;
	[sflag:s23] =	ssyncadd.s32 $0xFFFFF000  }
0xd8: {  	v1 =	vld [tilespmem:s0+$0x1D700];
	_ =	sdelay $0x5  }
0xd9: {  	v2 =	vld [tilespmem:s0+$0x1D710]  }
0xda: {  	s29 =	simm.s32 $0x0  }
0xdb: {  	v1 =	vld.idx.msk [tilespmem:v1+s29+$0x0], $0xffff;
	_ =	sdelay $0x4  }
0xdc: {  	[tilespmem:s0+$0x1B700] =	vst v1;
	v1 =	vld [tilespmem:s0+$0x1D720]  }
0xdd: {  	v2 =	vld.idx.msk [tilespmem:v2+s29+$0x0], $0xffff;
	_ =	sdelay $0x4  }
0xde: {  	[tilespmem:s0+$0x1B710] =	vst v2;
	v2 =	vld [tilespmem:s0+$0x1D730];
	_ =	sdelay $0x1  }
0xdf: {  	v1 =	vld.idx.msk [tilespmem:v1+s29+$0x0], $0xffff;
	_ =	sdelay $0x4  }
0xe0: {  	[tilespmem:s0+$0x1B720] =	vst v1;
	v1 =	vld [tilespmem:s0+$0x1D740]  }
0xe1: {  	v2 =	vld.idx.msk [tilespmem:v2+s29+$0x0], $0xffff;
	_ =	sdelay $0x4  }
0xe2: {  	[tilespmem:s0+$0x1B730] =	vst v2;
	v2 =	vld [tilespmem:s0+$0x1D750];
	_ =	sdelay $0x1  }
0xe3: {  	v1 =	vld.idx.msk [tilespmem:v1+s29+$0x0], $0xffff;
	_ =	sdelay $0x4  }
0xe4: {  	v3 =	vld [tilespmem:s0+$0x1D760];
	[tilespmem:s0+$0x1B740] =	vst v1  }
0xe5: {  	v1 =	vld.idx.msk [tilespmem:v2+s29+$0x0], $0xffff;
	_ =	sdelay $0x4  }
0xe6: {  	[tilespmem:s0+$0x1B750] =	vst v1;
	v1 =	vld [tilespmem:s0+$0x1D770];
	_ =	sdelay $0x1  }
0xe7: {  	v2 =	vld.idx.msk [tilespmem:v3+s29+$0x0], $0xffff;
	_ =	sdelay $0x3  }
0xe8: {  	s30 =	simm.s32 $0x400;
	s6 =	simm.s32 $0x80  }
.LBB2_9:
0xe9: {  	p1 =	seq.s32 s30, $0x3E00;
	v3 =	vld [tilespmem:s6+$0x1D700];
	[tilespmem:s0+$0x1B760] =	vst v2  }
0xea: {  	v1 =	vld.idx.msk [tilespmem:v1+s29+$0x0], $0xffff;
	_ =	sdelay $0x5  }
0xeb: {  	v2 =	vld [tilespmem:s6+$0x1D710];
	[tilespmem:s0+$0x1B770] =	vst v1;
	s0 =	smov.u32 s6  }
0xec: {  	v1 =	vld.idx.msk [tilespmem:v3+s29+$0x0], $0xffff;
	_ =	sdelay $0x5  }
0xed: {  	[tilespmem:s0+$0x1B700] =	vst v1;
	v1 =	vld [tilespmem:s0+$0x1D720]  }
0xee: {  	v2 =	vld.idx.msk [tilespmem:v2+s29+$0x0], $0xffff;
	_ =	sdelay $0x5  }
0xef: {  	[tilespmem:s0+$0x1B710] =	vst v2;
	v2 =	vld [tilespmem:s0+$0x1D730]  }
0xf0: {  	v1 =	vld.idx.msk [tilespmem:v1+s29+$0x0], $0xffff;
	_ =	sdelay $0x5  }
0xf1: {  	[tilespmem:s0+$0x1B720] =	vst v1;
	v1 =	vld [tilespmem:s0+$0x1D740]  }
0xf2: {  	v2 =	vld.idx.msk [tilespmem:v2+s29+$0x0], $0xffff;
	_ =	sdelay $0x5  }
0xf3: {  	[tilespmem:s0+$0x1B730] =	vst v2;
	v2 =	vld [tilespmem:s0+$0x1D750]  }
0xf4: {  	v1 =	vld.idx.msk [tilespmem:v1+s29+$0x0], $0xffff;
	_ =	sdelay $0x5  }
0xf5: {  	[tilespmem:s0+$0x1B740] =	vst v1;
	v3 =	vld [tilespmem:s0+$0x1D760]  }
0xf6: {  	v1 =	vld.idx.msk [tilespmem:v2+s29+$0x0], $0xffff;
	_ =	sdelay $0x5  }
0xf7: {  	[tilespmem:s0+$0x1B750] =	vst v1;
	v1 =	vld [tilespmem:s0+$0x1D770]  }
0xf8: {  	v2 =	vld.idx.msk [tilespmem:v3+s29+$0x0], $0xffff  }
.Ltmp3:
0xf9: {  	(pc) =	sbr.rel @!p1 .LBB2_9-.Ltmp3, $2  }
0xfa: {  	_ =	sdelay $0x2  }
0xfb: {  	s6 =	sshra.s32 s30, $0x2;
	s30 =	sadd.s32 $0x200, s30  }
0xfc: {  	_ =	sdelay $0x1  }
0xfd: {  	v3 =	vld [tilespmem:s6+$0x1D700]  }
0xfe: {  	[tilespmem:s0+$0x1B760] =	vst v2  }
0xff: {  	v1 =	vld.idx.msk [tilespmem:v1+s29+$0x0], $0xffff;
	_ =	sdelay $0x3  }
0x100: {  	v2 =	vld [tilespmem:s6+$0x1D710]  }
0x101: {  	[tilespmem:s0+$0x1B770] =	vst v1  }
0x102: {  	v1 =	vld.idx.msk [tilespmem:v3+s29+$0x0], $0xffff;
	_ =	sdelay $0x4  }
0x103: {  	[tilespmem:s6+$0x1B700] =	vst v1;
	v1 =	vld [tilespmem:s6+$0x1D720]  }
0x104: {  	v2 =	vld.idx.msk [tilespmem:v2+s29+$0x0], $0xffff;
	_ =	sdelay $0x4  }
0x105: {  	[tilespmem:s6+$0x1B710] =	vst v2;
	v2 =	vld [tilespmem:s6+$0x1D730];
	_ =	sdelay $0x1  }
0x106: {  	v1 =	vld.idx.msk [tilespmem:v1+s29+$0x0], $0xffff;
	_ =	sdelay $0x4  }
0x107: {  	[tilespmem:s6+$0x1B720] =	vst v1;
	v1 =	vld [tilespmem:s6+$0x1D740]  }
0x108: {  	v2 =	vld.idx.msk [tilespmem:v2+s29+$0x0], $0xffff;
	_ =	sdelay $0x4  }
0x109: {  	[tilespmem:s6+$0x1B730] =	vst v2;
	v2 =	vld [tilespmem:s6+$0x1D750];
	_ =	sdelay $0x1  }
0x10a: {  	v1 =	vld.idx.msk [tilespmem:v1+s29+$0x0], $0xffff;
	_ =	sdelay $0x4  }
0x10b: {  	[tilespmem:s6+$0x1B740] =	vst v1;
	v1 =	vld [tilespmem:s6+$0x1D760]  }
0x10c: {  	v2 =	vld.idx.msk [tilespmem:v2+s29+$0x0], $0xffff;
	_ =	sdelay $0x4  }
0x10d: {  	[tilespmem:s6+$0x1B750] =	vst v2;
	v2 =	vld [tilespmem:s6+$0x1D770];
	_ =	sdelay $0x1  }
0x10e: {  	v1 =	vld.idx.msk [tilespmem:v1+s29+$0x0], $0xffff;
	_ =	sdelay $0x4  }
0x10f: {  	[tilespmem:s6+$0x1B760] =	vst v1  }
0x110: {  	v1 =	vld.idx.msk [tilespmem:v2+s29+$0x0], $0xffff;
	_ =	sdelay $0x4  }
0x111: {  	[tilespmem:s6+$0x1B770] =	vst v1  }
.LBB2_12:
0x112: {  	s0 =	sshll.u32 s29, $0x7  }
0x113: {  	v1 =	vor.u32 s0, v0;
	_ =	sdelay $0x4  }
0x114: {  	v1 =	vld.idx.msk [tilespmem:v1+s15+$0x0], $0xffff;
	_ =	sdelay $0x4  }
0x115: {  	v1 =	vmul.f32 $1.442695020e+00, v1  }
0x116: {  	s6 =	smul.u32 $0x61C000, s29  }
0x117: {  	(erf) = vpow2.f32 v1  }
0x118: {  	s0 =	sadd.s32 s28, s6  }
0x119: {  	s0 =	sshrl.u32 s0, $0x3  }
0x11a: {  	s29 =	sadd.s32 $0x1, s29;
	s6 =	simm.s32 $0x0;
	s0 =	sadd.s32 s2, s0  }
0x11b: {  	[tilespmem:s6], [sflag:$0x1] =	stream.strided.gather [hbm4b:s0+s17], $0x18700, s18, s17, $0x38;
	[tilespmem:$0x1F700] =	vst v63  }
0x11c: {  	s0 =	sshll.u32 s29, $0xB;
	s6 =	sshll.u32 s29, $0x4  }
0x11d: {  	s0 =	sand.u32 $0x1C000, s0;
	s6 =	sand.u32 $0x70, s6  }
0x11e: {  	s30 =	sor.u32 s6, s0  }
0x11f: {  	s0 =	sadd.s32 s3, s30  }
0x120: {  	[tilespmem:s19], [sflag:$0x2] =	stream.strided.gather [hbm4b:s0+s17], $0x1000, s18, s17, $0x38;
	v1 =	vpop (erf);
	[tilespmem:$0x1F700] =	vst v63  }
0x121: {  	_ =	swait.ge [sflag:s20], $0x18700  }
0x122: {  	[sflag:s20] =	ssyncset.done $0x0  }
0x123: {  	s6 =	sadd.s32 s30, s9;
	[sflag:s20] =	ssyncadd.s32 $0xFFFE7900  }
0x124: {  	[tilespmem:s21], [sflag:$0x3] =	stream.strided.gather [hbm4b:s6+s17], $0x1000, s18, s17, $0x38;
	[tilespmem:$0x1F700] =	vst v63  }
0x125: {  	_ =	swait.ge [sflag:s22], $0x1000  }
0x126: {  	[sflag:s22] =	ssyncset.done $0x0  }
0x127: {  	s31 =	simm.s32 $0x0;
	[sflag:s22] =	ssyncadd.s32 $0xFFFFF000  }
0x128: {  	v2 =	vld [tilespmem:s31+$0x1C700];
	_ =	sdelay $0x7  }
0x129: {  	v2 =	vld.idx.msk [tilespmem:v2+s5+$0x0], $0xffff  }
0x12a: {  	v3 =	vld [tilespmem:s31+$0x1C710]  }
0x12b: {  	v4 =	vld [tilespmem:s31+$0x18700]  }
0x12c: {  	v1 =	vmul.f32 $5.000000000e-01, v1;
	_ =	sdelay $0x1  }
0x12d: {  	v2 =	vmul.f32 v2, v1;
	_ =	sdelay $0x1  }
0x12e: {  	v2 =	vadd.f32 v2, v4;
	_ =	sdelay $0x1  }
0x12f: {  	[tilespmem:s31+$0x18700] =	vst v2  }
0x130: {  	v2 =	vld.idx.msk [tilespmem:v3+s5+$0x0], $0xffff  }
0x131: {  	v4 =	vld [tilespmem:s31+$0x18710]  }
0x132: {  	v3 =	vld [tilespmem:s31+$0x1C720];
	_ =	sdelay $0x2  }
0x133: {  	v2 =	vmul.f32 v2, v1;
	_ =	sdelay $0x1  }
0x134: {  	v2 =	vadd.f32 v2, v4;
	_ =	sdelay $0x1  }
0x135: {  	[tilespmem:s31+$0x18710] =	vst v2  }
0x136: {  	v2 =	vld.idx.msk [tilespmem:v3+s5+$0x0], $0xffff  }
0x137: {  	v4 =	vld [tilespmem:s31+$0x18720]  }
0x138: {  	v3 =	vld [tilespmem:s31+$0x1C730];
	_ =	sdelay $0x2  }
0x139: {  	v2 =	vmul.f32 v2, v1;
	_ =	sdelay $0x1  }
0x13a: {  	v2 =	vadd.f32 v2, v4;
	_ =	sdelay $0x1  }
0x13b: {  	[tilespmem:s31+$0x18720] =	vst v2  }
0x13c: {  	v2 =	vld.idx.msk [tilespmem:v3+s5+$0x0], $0xffff  }
0x13d: {  	v4 =	vld [tilespmem:s31+$0x18730]  }
0x13e: {  	v3 =	vld [tilespmem:s31+$0x1C740];
	_ =	sdelay $0x2  }
0x13f: {  	v2 =	vmul.f32 v2, v1;
	_ =	sdelay $0x1  }
0x140: {  	v2 =	vadd.f32 v2, v4;
	_ =	sdelay $0x1  }
0x141: {  	[tilespmem:s31+$0x18730] =	vst v2  }
0x142: {  	v2 =	vld.idx.msk [tilespmem:v3+s5+$0x0], $0xffff  }
0x143: {  	v4 =	vld [tilespmem:s31+$0x18740]  }
0x144: {  	v3 =	vld [tilespmem:s31+$0x1C750];
	_ =	sdelay $0x2  }
0x145: {  	v2 =	vmul.f32 v2, v1;
	_ =	sdelay $0x1  }
0x146: {  	v2 =	vadd.f32 v2, v4;
	_ =	sdelay $0x1  }
0x147: {  	[tilespmem:s31+$0x18740] =	vst v2  }
0x148: {  	v2 =	vld.idx.msk [tilespmem:v3+s5+$0x0], $0xffff  }
0x149: {  	v4 =	vld [tilespmem:s31+$0x18750]  }
0x14a: {  	v3 =	vld [tilespmem:s31+$0x1C760];
	_ =	sdelay $0x2  }
0x14b: {  	v2 =	vmul.f32 v2, v1;
	_ =	sdelay $0x1  }
0x14c: {  	v2 =	vadd.f32 v2, v4;
	_ =	sdelay $0x1  }
0x14d: {  	[tilespmem:s31+$0x18750] =	vst v2  }
0x14e: {  	v2 =	vld.idx.msk [tilespmem:v3+s5+$0x0], $0xffff  }
0x14f: {  	v4 =	vld [tilespmem:s31+$0x18760]  }
0x150: {  	v3 =	vld [tilespmem:s31+$0x1C770];
	_ =	sdelay $0x2  }
0x151: {  	v2 =	vmul.f32 v2, v1;
	_ =	sdelay $0x1  }
0x152: {  	v2 =	vadd.f32 v2, v4;
	_ =	sdelay $0x1  }
0x153: {  	[tilespmem:s31+$0x18760] =	vst v2  }
0x154: {  	s6 =	simm.s32 $0x80;
	v3 =	vld.idx.msk [tilespmem:v3+s5+$0x0], $0xffff  }
0x155: {  	s0 =	simm.s32 $0x400;
	v2 =	vld [tilespmem:s6+$0x1C700]  }
.LBB2_13:
0x156: {  	p1 =	sne.s32 s0, $0x3E00;
	v4 =	vld [tilespmem:s31+$0x18770];
	_ =	sdelay $0x2  }
0x157: {  	v3 =	vmul.f32 v3, v1;
	_ =	sdelay $0x1  }
0x158: {  	v3 =	vadd.f32 v3, v4;
	_ =	sdelay $0x1  }
0x159: {  	[tilespmem:s31+$0x18770] =	vst v3;
	s31 =	smov.u32 s6  }
0x15a: {  	v2 =	vld.idx.msk [tilespmem:v2+s5+$0x0], $0xffff;
	_ =	sdelay $0x1  }
0x15b: {  	v3 =	vld [tilespmem:s31+$0x1C710]  }
0x15c: {  	v4 =	vld [tilespmem:s31+$0x18700];
	_ =	sdelay $0x2  }
0x15d: {  	v2 =	vmul.f32 v2, v1;
	_ =	sdelay $0x1  }
0x15e: {  	v2 =	vadd.f32 v2, v4;
	_ =	sdelay $0x1  }
0x15f: {  	[tilespmem:s31+$0x18700] =	vst v2  }
0x160: {  	v2 =	vld.idx.msk [tilespmem:v3+s5+$0x0], $0xffff;
	_ =	sdelay $0x1  }
0x161: {  	v3 =	vld [tilespmem:s31+$0x1C720]  }
0x162: {  	v4 =	vld [tilespmem:s31+$0x18710];
	_ =	sdelay $0x2  }
0x163: {  	v2 =	vmul.f32 v2, v1;
	_ =	sdelay $0x1  }
0x164: {  	v2 =	vadd.f32 v2, v4;
	_ =	sdelay $0x1  }
0x165: {  	[tilespmem:s31+$0x18710] =	vst v2  }
0x166: {  	v2 =	vld.idx.msk [tilespmem:v3+s5+$0x0], $0xffff;
	_ =	sdelay $0x1  }
0x167: {  	v3 =	vld [tilespmem:s31+$0x1C730]  }
0x168: {  	v4 =	vld [tilespmem:s31+$0x18720];
	_ =	sdelay $0x2  }
0x169: {  	v2 =	vmul.f32 v2, v1;
	_ =	sdelay $0x1  }
0x16a: {  	v2 =	vadd.f32 v2, v4;
	_ =	sdelay $0x1  }
0x16b: {  	[tilespmem:s31+$0x18720] =	vst v2  }
0x16c: {  	v2 =	vld.idx.msk [tilespmem:v3+s5+$0x0], $0xffff;
	_ =	sdelay $0x1  }
0x16d: {  	v3 =	vld [tilespmem:s31+$0x1C740]  }
0x16e: {  	v4 =	vld [tilespmem:s31+$0x18730];
	_ =	sdelay $0x2  }
0x16f: {  	v2 =	vmul.f32 v2, v1;
	_ =	sdelay $0x1  }
0x170: {  	v2 =	vadd.f32 v2, v4;
	_ =	sdelay $0x1  }
0x171: {  	[tilespmem:s31+$0x18730] =	vst v2  }
0x172: {  	v2 =	vld.idx.msk [tilespmem:v3+s5+$0x0], $0xffff;
	_ =	sdelay $0x1  }
0x173: {  	v3 =	vld [tilespmem:s31+$0x1C750]  }
0x174: {  	v4 =	vld [tilespmem:s31+$0x18740];
	_ =	sdelay $0x2  }
0x175: {  	v2 =	vmul.f32 v2, v1;
	_ =	sdelay $0x1  }
0x176: {  	v2 =	vadd.f32 v2, v4;
	_ =	sdelay $0x1  }
0x177: {  	[tilespmem:s31+$0x18740] =	vst v2  }
0x178: {  	v2 =	vld.idx.msk [tilespmem:v3+s5+$0x0], $0xffff;
	_ =	sdelay $0x1  }
0x179: {  	v3 =	vld [tilespmem:s31+$0x1C760]  }
0x17a: {  	v4 =	vld [tilespmem:s31+$0x18750];
	_ =	sdelay $0x2  }
0x17b: {  	v2 =	vmul.f32 v2, v1;
	_ =	sdelay $0x1  }
0x17c: {  	v2 =	vadd.f32 v2, v4;
	_ =	sdelay $0x1  }
0x17d: {  	[tilespmem:s31+$0x18750] =	vst v2  }
0x17e: {  	v2 =	vld.idx.msk [tilespmem:v3+s5+$0x0], $0xffff;
	_ =	sdelay $0x1  }
0x17f: {  	v3 =	vld [tilespmem:s31+$0x1C770]  }
0x180: {  	v4 =	vld [tilespmem:s31+$0x18760];
	_ =	sdelay $0x2  }
0x181: {  	v2 =	vmul.f32 v2, v1;
	_ =	sdelay $0x1  }
0x182: {  	v2 =	vadd.f32 v2, v4  }
.Ltmp4:
0x183: {  	(pc) =	sbr.rel @p1 .LBB2_13-.Ltmp4, $4  }
0x184: {  	[tilespmem:s31+$0x18760] =	vst v2  }
0x185: {  	v3 =	vld.idx.msk [tilespmem:v3+s5+$0x0], $0xffff  }
0x186: {  	s6 =	sshra.s32 s0, $0x2  }
0x187: {  	s0 =	sadd.s32 $0x200, s0;
	v2 =	vld [tilespmem:s6+$0x1C700]  }
0x188: {  	v4 =	vld [tilespmem:s31+$0x18770];
	_ =	sdelay $0x2  }
0x189: {  	v3 =	vmul.f32 v3, v1;
	_ =	sdelay $0x1  }
0x18a: {  	v3 =	vadd.f32 v3, v4;
	_ =	sdelay $0x1  }
0x18b: {  	[tilespmem:s31+$0x18770] =	vst v3  }
0x18c: {  	v2 =	vld.idx.msk [tilespmem:v2+s5+$0x0], $0xffff  }
0x18d: {  	v3 =	vld [tilespmem:s6+$0x1C710]  }
0x18e: {  	v4 =	vld [tilespmem:s6+$0x18700];
	_ =	sdelay $0x2  }
0x18f: {  	v2 =	vmul.f32 v2, v1;
	_ =	sdelay $0x1  }
0x190: {  	v2 =	vadd.f32 v2, v4;
	_ =	sdelay $0x1  }
0x191: {  	[tilespmem:s6+$0x18700] =	vst v2  }
0x192: {  	v2 =	vld.idx.msk [tilespmem:v3+s5+$0x0], $0xffff  }
0x193: {  	v4 =	vld [tilespmem:s6+$0x18710]  }
0x194: {  	v3 =	vld [tilespmem:s6+$0x1C720];
	_ =	sdelay $0x2  }
0x195: {  	v2 =	vmul.f32 v2, v1;
	_ =	sdelay $0x1  }
0x196: {  	v2 =	vadd.f32 v2, v4;
	_ =	sdelay $0x1  }
0x197: {  	[tilespmem:s6+$0x18710] =	vst v2  }
0x198: {  	v2 =	vld.idx.msk [tilespmem:v3+s5+$0x0], $0xffff  }
0x199: {  	v4 =	vld [tilespmem:s6+$0x18720]  }
0x19a: {  	v3 =	vld [tilespmem:s6+$0x1C730];
	_ =	sdelay $0x2  }
0x19b: {  	v2 =	vmul.f32 v2, v1;
	_ =	sdelay $0x1  }
0x19c: {  	v2 =	vadd.f32 v2, v4;
	_ =	sdelay $0x1  }
0x19d: {  	[tilespmem:s6+$0x18720] =	vst v2  }
0x19e: {  	v2 =	vld.idx.msk [tilespmem:v3+s5+$0x0], $0xffff  }
0x19f: {  	v4 =	vld [tilespmem:s6+$0x18730]  }
0x1a0: {  	v3 =	vld [tilespmem:s6+$0x1C740];
	_ =	sdelay $0x2  }
0x1a1: {  	v2 =	vmul.f32 v2, v1;
	_ =	sdelay $0x1  }
0x1a2: {  	v2 =	vadd.f32 v2, v4;
	_ =	sdelay $0x1  }
0x1a3: {  	[tilespmem:s6+$0x18730] =	vst v2  }
0x1a4: {  	v2 =	vld.idx.msk [tilespmem:v3+s5+$0x0], $0xffff  }
0x1a5: {  	v4 =	vld [tilespmem:s6+$0x18740]  }
0x1a6: {  	v3 =	vld [tilespmem:s6+$0x1C750];
	_ =	sdelay $0x2  }
0x1a7: {  	v2 =	vmul.f32 v2, v1;
	_ =	sdelay $0x1  }
0x1a8: {  	v2 =	vadd.f32 v2, v4;
	_ =	sdelay $0x1  }
0x1a9: {  	[tilespmem:s6+$0x18740] =	vst v2  }
0x1aa: {  	v2 =	vld.idx.msk [tilespmem:v3+s5+$0x0], $0xffff  }
0x1ab: {  	v4 =	vld [tilespmem:s6+$0x18750]  }
0x1ac: {  	v3 =	vld [tilespmem:s6+$0x1C760];
	_ =	sdelay $0x2  }
0x1ad: {  	v2 =	vmul.f32 v2, v1;
	_ =	sdelay $0x1  }
0x1ae: {  	v2 =	vadd.f32 v2, v4;
	_ =	sdelay $0x1  }
0x1af: {  	[tilespmem:s6+$0x18750] =	vst v2  }
0x1b0: {  	v2 =	vld.idx.msk [tilespmem:v3+s5+$0x0], $0xffff  }
0x1b1: {  	v4 =	vld [tilespmem:s6+$0x18760]  }
0x1b2: {  	v3 =	vld [tilespmem:s6+$0x1C770];
	_ =	sdelay $0x2  }
0x1b3: {  	v2 =	vmul.f32 v2, v1;
	_ =	sdelay $0x1  }
0x1b4: {  	v2 =	vadd.f32 v2, v4;
	_ =	sdelay $0x1  }
0x1b5: {  	[tilespmem:s6+$0x18760] =	vst v2  }
0x1b6: {  	v2 =	vld.idx.msk [tilespmem:v3+s5+$0x0], $0xffff;
	_ =	sdelay $0x1  }
0x1b7: {  	v3 =	vld [tilespmem:s6+$0x18770];
	_ =	sdelay $0x2  }
0x1b8: {  	v2 =	vmul.f32 v2, v1;
	_ =	sdelay $0x1  }
0x1b9: {  	v2 =	vadd.f32 v2, v3;
	_ =	sdelay $0x1  }
0x1ba: {  	s0 =	sadd.s32 s30, s10;
	[tilespmem:s6+$0x18770] =	vst v2  }
0x1bb: {  	[tilespmem:s19], [sflag:$0x2] =	stream.strided.gather [hbm4b:s0+s17], $0x1000, s18, s17, $0x38;
	[tilespmem:$0x1F700] =	vst v63  }
0x1bc: {  	_ =	swait.ge [sflag:s23], $0x1000  }
0x1bd: {  	[sflag:s23] =	ssyncset.done $0x0  }
0x1be: {  	s31 =	simm.s32 $0x0;
	[sflag:s23] =	ssyncadd.s32 $0xFFFFF000  }
0x1bf: {  	v2 =	vld [tilespmem:s31+$0x1D700];
	_ =	sdelay $0x7  }
0x1c0: {  	v2 =	vld.idx.msk [tilespmem:v2+s5+$0x0], $0xffff  }
0x1c1: {  	v3 =	vld [tilespmem:s31+$0x1D710]  }
0x1c2: {  	v4 =	vld [tilespmem:s31+$0x19700];
	_ =	sdelay $0x2  }
0x1c3: {  	v2 =	vmul.f32 v2, v1;
	_ =	sdelay $0x1  }
0x1c4: {  	v2 =	vadd.f32 v2, v4;
	_ =	sdelay $0x1  }
0x1c5: {  	[tilespmem:s31+$0x19700] =	vst v2  }
0x1c6: {  	v2 =	vld.idx.msk [tilespmem:v3+s5+$0x0], $0xffff  }
0x1c7: {  	v4 =	vld [tilespmem:s31+$0x19710]  }
0x1c8: {  	v3 =	vld [tilespmem:s31+$0x1D720];
	_ =	sdelay $0x2  }
0x1c9: {  	v2 =	vmul.f32 v2, v1;
	_ =	sdelay $0x1  }
0x1ca: {  	v2 =	vadd.f32 v2, v4;
	_ =	sdelay $0x1  }
0x1cb: {  	[tilespmem:s31+$0x19710] =	vst v2  }
0x1cc: {  	v2 =	vld.idx.msk [tilespmem:v3+s5+$0x0], $0xffff  }
0x1cd: {  	v4 =	vld [tilespmem:s31+$0x19720]  }
0x1ce: {  	v3 =	vld [tilespmem:s31+$0x1D730];
	_ =	sdelay $0x2  }
0x1cf: {  	v2 =	vmul.f32 v2, v1;
	_ =	sdelay $0x1  }
0x1d0: {  	v2 =	vadd.f32 v2, v4;
	_ =	sdelay $0x1  }
0x1d1: {  	[tilespmem:s31+$0x19720] =	vst v2  }
0x1d2: {  	v2 =	vld.idx.msk [tilespmem:v3+s5+$0x0], $0xffff  }
0x1d3: {  	v4 =	vld [tilespmem:s31+$0x19730]  }
0x1d4: {  	v3 =	vld [tilespmem:s31+$0x1D740];
	_ =	sdelay $0x2  }
0x1d5: {  	v2 =	vmul.f32 v2, v1;
	_ =	sdelay $0x1  }
0x1d6: {  	v2 =	vadd.f32 v2, v4;
	_ =	sdelay $0x1  }
0x1d7: {  	[tilespmem:s31+$0x19730] =	vst v2  }
0x1d8: {  	v2 =	vld.idx.msk [tilespmem:v3+s5+$0x0], $0xffff  }
0x1d9: {  	v4 =	vld [tilespmem:s31+$0x19740]  }
0x1da: {  	v3 =	vld [tilespmem:s31+$0x1D750];
	_ =	sdelay $0x2  }
0x1db: {  	v2 =	vmul.f32 v2, v1;
	_ =	sdelay $0x1  }
0x1dc: {  	v2 =	vadd.f32 v2, v4;
	_ =	sdelay $0x1  }
0x1dd: {  	[tilespmem:s31+$0x19740] =	vst v2  }
0x1de: {  	v2 =	vld.idx.msk [tilespmem:v3+s5+$0x0], $0xffff  }
0x1df: {  	v4 =	vld [tilespmem:s31+$0x19750]  }
0x1e0: {  	v3 =	vld [tilespmem:s31+$0x1D760];
	_ =	sdelay $0x2  }
0x1e1: {  	v2 =	vmul.f32 v2, v1;
	_ =	sdelay $0x1  }
0x1e2: {  	v2 =	vadd.f32 v2, v4;
	_ =	sdelay $0x1  }
0x1e3: {  	[tilespmem:s31+$0x19750] =	vst v2  }
0x1e4: {  	v2 =	vld.idx.msk [tilespmem:v3+s5+$0x0], $0xffff  }
0x1e5: {  	v4 =	vld [tilespmem:s31+$0x19760]  }
0x1e6: {  	v3 =	vld [tilespmem:s31+$0x1D770];
	_ =	sdelay $0x2  }
0x1e7: {  	v2 =	vmul.f32 v2, v1;
	_ =	sdelay $0x1  }
0x1e8: {  	v2 =	vadd.f32 v2, v4;
	_ =	sdelay $0x1  }
0x1e9: {  	[tilespmem:s31+$0x19760] =	vst v2  }
0x1ea: {  	s6 =	simm.s32 $0x80;
	v3 =	vld.idx.msk [tilespmem:v3+s5+$0x0], $0xffff  }
0x1eb: {  	s0 =	simm.s32 $0x400;
	v2 =	vld [tilespmem:s6+$0x1D700]  }
.LBB2_15:
0x1ec: {  	p1 =	sne.s32 s0, $0x3E00;
	v4 =	vld [tilespmem:s31+$0x19770];
	_ =	sdelay $0x2  }
0x1ed: {  	v3 =	vmul.f32 v3, v1;
	_ =	sdelay $0x1  }
0x1ee: {  	v3 =	vadd.f32 v3, v4;
	_ =	sdelay $0x1  }
0x1ef: {  	[tilespmem:s31+$0x19770] =	vst v3;
	s31 =	smov.u32 s6  }
0x1f0: {  	v2 =	vld.idx.msk [tilespmem:v2+s5+$0x0], $0xffff;
	_ =	sdelay $0x1  }
0x1f1: {  	v3 =	vld [tilespmem:s31+$0x1D710]  }
0x1f2: {  	v4 =	vld [tilespmem:s31+$0x19700];
	_ =	sdelay $0x2  }
0x1f3: {  	v2 =	vmul.f32 v2, v1;
	_ =	sdelay $0x1  }
0x1f4: {  	v2 =	vadd.f32 v2, v4;
	_ =	sdelay $0x1  }
0x1f5: {  	[tilespmem:s31+$0x19700] =	vst v2  }
0x1f6: {  	v2 =	vld.idx.msk [tilespmem:v3+s5+$0x0], $0xffff;
	_ =	sdelay $0x1  }
0x1f7: {  	v3 =	vld [tilespmem:s31+$0x1D720]  }
0x1f8: {  	v4 =	vld [tilespmem:s31+$0x19710];
	_ =	sdelay $0x2  }
0x1f9: {  	v2 =	vmul.f32 v2, v1;
	_ =	sdelay $0x1  }
0x1fa: {  	v2 =	vadd.f32 v2, v4;
	_ =	sdelay $0x1  }
0x1fb: {  	[tilespmem:s31+$0x19710] =	vst v2  }
0x1fc: {  	v2 =	vld.idx.msk [tilespmem:v3+s5+$0x0], $0xffff;
	_ =	sdelay $0x1  }
0x1fd: {  	v3 =	vld [tilespmem:s31+$0x1D730]  }
0x1fe: {  	v4 =	vld [tilespmem:s31+$0x19720];
	_ =	sdelay $0x2  }
0x1ff: {  	v2 =	vmul.f32 v2, v1;
	_ =	sdelay $0x1  }
0x200: {  	v2 =	vadd.f32 v2, v4;
	_ =	sdelay $0x1  }
0x201: {  	[tilespmem:s31+$0x19720] =	vst v2  }
0x202: {  	v2 =	vld.idx.msk [tilespmem:v3+s5+$0x0], $0xffff;
	_ =	sdelay $0x1  }
0x203: {  	v3 =	vld [tilespmem:s31+$0x1D740]  }
0x204: {  	v4 =	vld [tilespmem:s31+$0x19730];
	_ =	sdelay $0x2  }
0x205: {  	v2 =	vmul.f32 v2, v1;
	_ =	sdelay $0x1  }
0x206: {  	v2 =	vadd.f32 v2, v4;
	_ =	sdelay $0x1  }
0x207: {  	[tilespmem:s31+$0x19730] =	vst v2  }
0x208: {  	v2 =	vld.idx.msk [tilespmem:v3+s5+$0x0], $0xffff;
	_ =	sdelay $0x1  }
0x209: {  	v3 =	vld [tilespmem:s31+$0x1D750]  }
0x20a: {  	v4 =	vld [tilespmem:s31+$0x19740];
	_ =	sdelay $0x2  }
0x20b: {  	v2 =	vmul.f32 v2, v1;
	_ =	sdelay $0x1  }
0x20c: {  	v2 =	vadd.f32 v2, v4;
	_ =	sdelay $0x1  }
0x20d: {  	[tilespmem:s31+$0x19740] =	vst v2  }
0x20e: {  	v2 =	vld.idx.msk [tilespmem:v3+s5+$0x0], $0xffff;
	_ =	sdelay $0x1  }
0x20f: {  	v3 =	vld [tilespmem:s31+$0x1D760]  }
0x210: {  	v4 =	vld [tilespmem:s31+$0x19750];
	_ =	sdelay $0x2  }
0x211: {  	v2 =	vmul.f32 v2, v1;
	_ =	sdelay $0x1  }
0x212: {  	v2 =	vadd.f32 v2, v4;
	_ =	sdelay $0x1  }
0x213: {  	[tilespmem:s31+$0x19750] =	vst v2  }
0x214: {  	v2 =	vld.idx.msk [tilespmem:v3+s5+$0x0], $0xffff;
	_ =	sdelay $0x1  }
0x215: {  	v3 =	vld [tilespmem:s31+$0x1D770]  }
0x216: {  	v4 =	vld [tilespmem:s31+$0x19760];
	_ =	sdelay $0x2  }
0x217: {  	v2 =	vmul.f32 v2, v1;
	_ =	sdelay $0x1  }
0x218: {  	v2 =	vadd.f32 v2, v4  }
.Ltmp5:
0x219: {  	(pc) =	sbr.rel @p1 .LBB2_15-.Ltmp5, $4  }
0x21a: {  	[tilespmem:s31+$0x19760] =	vst v2  }
0x21b: {  	v3 =	vld.idx.msk [tilespmem:v3+s5+$0x0], $0xffff  }
0x21c: {  	s6 =	sshra.s32 s0, $0x2  }
0x21d: {  	s0 =	sadd.s32 $0x200, s0;
	v2 =	vld [tilespmem:s6+$0x1D700]  }
0x21e: {  	v4 =	vld [tilespmem:s31+$0x19770];
	_ =	sdelay $0x2  }
0x21f: {  	v3 =	vmul.f32 v3, v1;
	_ =	sdelay $0x1  }
0x220: {  	v3 =	vadd.f32 v3, v4;
	_ =	sdelay $0x1  }
0x221: {  	[tilespmem:s31+$0x19770] =	vst v3  }
0x222: {  	v2 =	vld.idx.msk [tilespmem:v2+s5+$0x0], $0xffff  }
0x223: {  	v3 =	vld [tilespmem:s6+$0x1D710]  }
0x224: {  	v4 =	vld [tilespmem:s6+$0x19700];
	_ =	sdelay $0x2  }
0x225: {  	v2 =	vmul.f32 v2, v1;
	_ =	sdelay $0x1  }
0x226: {  	v2 =	vadd.f32 v2, v4;
	_ =	sdelay $0x1  }
0x227: {  	[tilespmem:s6+$0x19700] =	vst v2  }
0x228: {  	v2 =	vld.idx.msk [tilespmem:v3+s5+$0x0], $0xffff  }
0x229: {  	v4 =	vld [tilespmem:s6+$0x19710]  }
0x22a: {  	v3 =	vld [tilespmem:s6+$0x1D720];
	_ =	sdelay $0x2  }
0x22b: {  	v2 =	vmul.f32 v2, v1;
	_ =	sdelay $0x1  }
0x22c: {  	v2 =	vadd.f32 v2, v4;
	_ =	sdelay $0x1  }
0x22d: {  	[tilespmem:s6+$0x19710] =	vst v2  }
0x22e: {  	v2 =	vld.idx.msk [tilespmem:v3+s5+$0x0], $0xffff  }
0x22f: {  	v4 =	vld [tilespmem:s6+$0x19720]  }
0x230: {  	v3 =	vld [tilespmem:s6+$0x1D730];
	_ =	sdelay $0x2  }
0x231: {  	v2 =	vmul.f32 v2, v1;
	_ =	sdelay $0x1  }
0x232: {  	v2 =	vadd.f32 v2, v4;
	_ =	sdelay $0x1  }
0x233: {  	[tilespmem:s6+$0x19720] =	vst v2  }
0x234: {  	v2 =	vld.idx.msk [tilespmem:v3+s5+$0x0], $0xffff  }
0x235: {  	v4 =	vld [tilespmem:s6+$0x19730]  }
0x236: {  	v3 =	vld [tilespmem:s6+$0x1D740];
	_ =	sdelay $0x2  }
0x237: {  	v2 =	vmul.f32 v2, v1;
	_ =	sdelay $0x1  }
0x238: {  	v2 =	vadd.f32 v2, v4;
	_ =	sdelay $0x1  }
0x239: {  	[tilespmem:s6+$0x19730] =	vst v2  }
0x23a: {  	v2 =	vld.idx.msk [tilespmem:v3+s5+$0x0], $0xffff  }
0x23b: {  	v4 =	vld [tilespmem:s6+$0x19740]  }
0x23c: {  	v3 =	vld [tilespmem:s6+$0x1D750];
	_ =	sdelay $0x2  }
0x23d: {  	v2 =	vmul.f32 v2, v1;
	_ =	sdelay $0x1  }
0x23e: {  	v2 =	vadd.f32 v2, v4;
	_ =	sdelay $0x1  }
0x23f: {  	[tilespmem:s6+$0x19740] =	vst v2  }
0x240: {  	v2 =	vld.idx.msk [tilespmem:v3+s5+$0x0], $0xffff  }
0x241: {  	v4 =	vld [tilespmem:s6+$0x19750]  }
0x242: {  	v3 =	vld [tilespmem:s6+$0x1D760];
	_ =	sdelay $0x2  }
0x243: {  	v2 =	vmul.f32 v2, v1;
	_ =	sdelay $0x1  }
0x244: {  	v2 =	vadd.f32 v2, v4;
	_ =	sdelay $0x1  }
0x245: {  	[tilespmem:s6+$0x19750] =	vst v2  }
0x246: {  	v2 =	vld.idx.msk [tilespmem:v3+s5+$0x0], $0xffff  }
0x247: {  	v4 =	vld [tilespmem:s6+$0x19760]  }
0x248: {  	v3 =	vld [tilespmem:s6+$0x1D770];
	_ =	sdelay $0x2  }
0x249: {  	v2 =	vmul.f32 v2, v1;
	_ =	sdelay $0x1  }
0x24a: {  	v2 =	vadd.f32 v2, v4;
	_ =	sdelay $0x1  }
0x24b: {  	[tilespmem:s6+$0x19760] =	vst v2  }
0x24c: {  	v2 =	vld.idx.msk [tilespmem:v3+s5+$0x0], $0xffff;
	_ =	sdelay $0x1  }
0x24d: {  	v3 =	vld [tilespmem:s6+$0x19770];
	_ =	sdelay $0x2  }
0x24e: {  	v2 =	vmul.f32 v2, v1;
	_ =	sdelay $0x1  }
0x24f: {  	v2 =	vadd.f32 v2, v3;
	_ =	sdelay $0x1  }
0x250: {  	s0 =	sadd.s32 s30, s11;
	[tilespmem:s6+$0x19770] =	vst v2  }
0x251: {  	[tilespmem:s21], [sflag:$0x3] =	stream.strided.gather [hbm4b:s0+s17], $0x1000, s18, s17, $0x38;
	[tilespmem:$0x1F700] =	vst v63  }
0x252: {  	_ =	swait.ge [sflag:s22], $0x1000  }
0x253: {  	[sflag:s22] =	ssyncset.done $0x0  }
0x254: {  	s30 =	simm.s32 $0x0;
	[sflag:s22] =	ssyncadd.s32 $0xFFFFF000  }
0x255: {  	v2 =	vld [tilespmem:s30+$0x1C700];
	_ =	sdelay $0x7  }
0x256: {  	v2 =	vld.idx.msk [tilespmem:v2+s5+$0x0], $0xffff  }
0x257: {  	v3 =	vld [tilespmem:s30+$0x1C710]  }
0x258: {  	v4 =	vld [tilespmem:s30+$0x1A700];
	_ =	sdelay $0x2  }
0x259: {  	v2 =	vmul.f32 v2, v1;
	_ =	sdelay $0x1  }
0x25a: {  	v2 =	vadd.f32 v2, v4;
	_ =	sdelay $0x1  }
0x25b: {  	[tilespmem:s30+$0x1A700] =	vst v2  }
0x25c: {  	v2 =	vld.idx.msk [tilespmem:v3+s5+$0x0], $0xffff  }
0x25d: {  	v4 =	vld [tilespmem:s30+$0x1A710]  }
0x25e: {  	v3 =	vld [tilespmem:s30+$0x1C720];
	_ =	sdelay $0x2  }
0x25f: {  	v2 =	vmul.f32 v2, v1;
	_ =	sdelay $0x1  }
0x260: {  	v2 =	vadd.f32 v2, v4;
	_ =	sdelay $0x1  }
0x261: {  	[tilespmem:s30+$0x1A710] =	vst v2  }
0x262: {  	v2 =	vld.idx.msk [tilespmem:v3+s5+$0x0], $0xffff  }
0x263: {  	v4 =	vld [tilespmem:s30+$0x1A720]  }
0x264: {  	v3 =	vld [tilespmem:s30+$0x1C730];
	_ =	sdelay $0x2  }
0x265: {  	v2 =	vmul.f32 v2, v1;
	_ =	sdelay $0x1  }
0x266: {  	v2 =	vadd.f32 v2, v4;
	_ =	sdelay $0x1  }
0x267: {  	[tilespmem:s30+$0x1A720] =	vst v2  }
0x268: {  	v2 =	vld.idx.msk [tilespmem:v3+s5+$0x0], $0xffff  }
0x269: {  	v4 =	vld [tilespmem:s30+$0x1A730]  }
0x26a: {  	v3 =	vld [tilespmem:s30+$0x1C740];
	_ =	sdelay $0x2  }
0x26b: {  	v2 =	vmul.f32 v2, v1;
	_ =	sdelay $0x1  }
0x26c: {  	v2 =	vadd.f32 v2, v4;
	_ =	sdelay $0x1  }
0x26d: {  	[tilespmem:s30+$0x1A730] =	vst v2  }
0x26e: {  	v2 =	vld.idx.msk [tilespmem:v3+s5+$0x0], $0xffff  }
0x26f: {  	v4 =	vld [tilespmem:s30+$0x1A740]  }
0x270: {  	v3 =	vld [tilespmem:s30+$0x1C750];
	_ =	sdelay $0x2  }
0x271: {  	v2 =	vmul.f32 v2, v1;
	_ =	sdelay $0x1  }
0x272: {  	v2 =	vadd.f32 v2, v4;
	_ =	sdelay $0x1  }
0x273: {  	[tilespmem:s30+$0x1A740] =	vst v2  }
0x274: {  	v2 =	vld.idx.msk [tilespmem:v3+s5+$0x0], $0xffff  }
0x275: {  	v4 =	vld [tilespmem:s30+$0x1A750]  }
0x276: {  	v3 =	vld [tilespmem:s30+$0x1C760];
	_ =	sdelay $0x2  }
0x277: {  	v2 =	vmul.f32 v2, v1;
	_ =	sdelay $0x1  }
0x278: {  	v2 =	vadd.f32 v2, v4;
	_ =	sdelay $0x1  }
0x279: {  	[tilespmem:s30+$0x1A750] =	vst v2  }
0x27a: {  	v2 =	vld.idx.msk [tilespmem:v3+s5+$0x0], $0xffff  }
0x27b: {  	v4 =	vld [tilespmem:s30+$0x1A760]  }
0x27c: {  	v3 =	vld [tilespmem:s30+$0x1C770];
	_ =	sdelay $0x2  }
0x27d: {  	v2 =	vmul.f32 v2, v1;
	_ =	sdelay $0x1  }
0x27e: {  	v2 =	vadd.f32 v2, v4;
	_ =	sdelay $0x1  }
0x27f: {  	[tilespmem:s30+$0x1A760] =	vst v2  }
0x280: {  	s6 =	simm.s32 $0x80;
	v3 =	vld.idx.msk [tilespmem:v3+s5+$0x0], $0xffff  }
0x281: {  	s0 =	simm.s32 $0x400;
	v2 =	vld [tilespmem:s6+$0x1C700]  }
.LBB2_17:
0x282: {  	p1 =	sne.s32 s0, $0x3E00;
	v4 =	vld [tilespmem:s30+$0x1A770];
	_ =	sdelay $0x2  }
0x283: {  	v3 =	vmul.f32 v3, v1;
	_ =	sdelay $0x1  }
0x284: {  	v3 =	vadd.f32 v3, v4;
	_ =	sdelay $0x1  }
0x285: {  	[tilespmem:s30+$0x1A770] =	vst v3;
	s30 =	smov.u32 s6  }
0x286: {  	v2 =	vld.idx.msk [tilespmem:v2+s5+$0x0], $0xffff;
	_ =	sdelay $0x1  }
0x287: {  	v3 =	vld [tilespmem:s30+$0x1C710]  }
0x288: {  	v4 =	vld [tilespmem:s30+$0x1A700];
	_ =	sdelay $0x2  }
0x289: {  	v2 =	vmul.f32 v2, v1;
	_ =	sdelay $0x1  }
0x28a: {  	v2 =	vadd.f32 v2, v4;
	_ =	sdelay $0x1  }
0x28b: {  	[tilespmem:s30+$0x1A700] =	vst v2  }
0x28c: {  	v2 =	vld.idx.msk [tilespmem:v3+s5+$0x0], $0xffff;
	_ =	sdelay $0x1  }
0x28d: {  	v3 =	vld [tilespmem:s30+$0x1C720]  }
0x28e: {  	v4 =	vld [tilespmem:s30+$0x1A710];
	_ =	sdelay $0x2  }
0x28f: {  	v2 =	vmul.f32 v2, v1;
	_ =	sdelay $0x1  }
0x290: {  	v2 =	vadd.f32 v2, v4;
	_ =	sdelay $0x1  }
0x291: {  	[tilespmem:s30+$0x1A710] =	vst v2  }
0x292: {  	v2 =	vld.idx.msk [tilespmem:v3+s5+$0x0], $0xffff;
	_ =	sdelay $0x1  }
0x293: {  	v3 =	vld [tilespmem:s30+$0x1C730]  }
0x294: {  	v4 =	vld [tilespmem:s30+$0x1A720];
	_ =	sdelay $0x2  }
0x295: {  	v2 =	vmul.f32 v2, v1;
	_ =	sdelay $0x1  }
0x296: {  	v2 =	vadd.f32 v2, v4;
	_ =	sdelay $0x1  }
0x297: {  	[tilespmem:s30+$0x1A720] =	vst v2  }
0x298: {  	v2 =	vld.idx.msk [tilespmem:v3+s5+$0x0], $0xffff;
	_ =	sdelay $0x1  }
0x299: {  	v3 =	vld [tilespmem:s30+$0x1C740]  }
0x29a: {  	v4 =	vld [tilespmem:s30+$0x1A730];
	_ =	sdelay $0x2  }
0x29b: {  	v2 =	vmul.f32 v2, v1;
	_ =	sdelay $0x1  }
0x29c: {  	v2 =	vadd.f32 v2, v4;
	_ =	sdelay $0x1  }
0x29d: {  	[tilespmem:s30+$0x1A730] =	vst v2  }
0x29e: {  	v2 =	vld.idx.msk [tilespmem:v3+s5+$0x0], $0xffff;
	_ =	sdelay $0x1  }
0x29f: {  	v3 =	vld [tilespmem:s30+$0x1C750]  }
0x2a0: {  	v4 =	vld [tilespmem:s30+$0x1A740];
	_ =	sdelay $0x2  }
0x2a1: {  	v2 =	vmul.f32 v2, v1;
	_ =	sdelay $0x1  }
0x2a2: {  	v2 =	vadd.f32 v2, v4;
	_ =	sdelay $0x1  }
0x2a3: {  	[tilespmem:s30+$0x1A740] =	vst v2  }
0x2a4: {  	v2 =	vld.idx.msk [tilespmem:v3+s5+$0x0], $0xffff;
	_ =	sdelay $0x1  }
0x2a5: {  	v3 =	vld [tilespmem:s30+$0x1C760]  }
0x2a6: {  	v4 =	vld [tilespmem:s30+$0x1A750];
	_ =	sdelay $0x2  }
0x2a7: {  	v2 =	vmul.f32 v2, v1;
	_ =	sdelay $0x1  }
0x2a8: {  	v2 =	vadd.f32 v2, v4;
	_ =	sdelay $0x1  }
0x2a9: {  	[tilespmem:s30+$0x1A750] =	vst v2  }
0x2aa: {  	v2 =	vld.idx.msk [tilespmem:v3+s5+$0x0], $0xffff;
	_ =	sdelay $0x1  }
0x2ab: {  	v3 =	vld [tilespmem:s30+$0x1C770]  }
0x2ac: {  	v4 =	vld [tilespmem:s30+$0x1A760];
	_ =	sdelay $0x2  }
0x2ad: {  	v2 =	vmul.f32 v2, v1;
	_ =	sdelay $0x1  }
0x2ae: {  	v2 =	vadd.f32 v2, v4  }
.Ltmp6:
0x2af: {  	(pc) =	sbr.rel @p1 .LBB2_17-.Ltmp6, $4  }
0x2b0: {  	[tilespmem:s30+$0x1A760] =	vst v2  }
0x2b1: {  	v3 =	vld.idx.msk [tilespmem:v3+s5+$0x0], $0xffff  }
0x2b2: {  	s6 =	sshra.s32 s0, $0x2  }
0x2b3: {  	s0 =	sadd.s32 $0x200, s0;
	v2 =	vld [tilespmem:s6+$0x1C700]  }
0x2b4: {  	v4 =	vld [tilespmem:s30+$0x1A770];
	_ =	sdelay $0x2  }
0x2b5: {  	v3 =	vmul.f32 v3, v1;
	_ =	sdelay $0x1  }
0x2b6: {  	v3 =	vadd.f32 v3, v4;
	_ =	sdelay $0x1  }
0x2b7: {  	[tilespmem:s30+$0x1A770] =	vst v3  }
0x2b8: {  	v2 =	vld.idx.msk [tilespmem:v2+s5+$0x0], $0xffff  }
0x2b9: {  	v3 =	vld [tilespmem:s6+$0x1C710]  }
0x2ba: {  	v4 =	vld [tilespmem:s6+$0x1A700];
	_ =	sdelay $0x2  }
0x2bb: {  	v2 =	vmul.f32 v2, v1;
	_ =	sdelay $0x1  }
0x2bc: {  	v2 =	vadd.f32 v2, v4;
	_ =	sdelay $0x1  }
0x2bd: {  	[tilespmem:s6+$0x1A700] =	vst v2  }
0x2be: {  	v2 =	vld.idx.msk [tilespmem:v3+s5+$0x0], $0xffff  }
0x2bf: {  	v4 =	vld [tilespmem:s6+$0x1A710]  }
0x2c0: {  	v3 =	vld [tilespmem:s6+$0x1C720];
	_ =	sdelay $0x2  }
0x2c1: {  	v2 =	vmul.f32 v2, v1;
	_ =	sdelay $0x1  }
0x2c2: {  	v2 =	vadd.f32 v2, v4;
	_ =	sdelay $0x1  }
0x2c3: {  	[tilespmem:s6+$0x1A710] =	vst v2  }
0x2c4: {  	v2 =	vld.idx.msk [tilespmem:v3+s5+$0x0], $0xffff  }
0x2c5: {  	v4 =	vld [tilespmem:s6+$0x1A720]  }
0x2c6: {  	v3 =	vld [tilespmem:s6+$0x1C730];
	_ =	sdelay $0x2  }
0x2c7: {  	v2 =	vmul.f32 v2, v1;
	_ =	sdelay $0x1  }
0x2c8: {  	v2 =	vadd.f32 v2, v4;
	_ =	sdelay $0x1  }
0x2c9: {  	[tilespmem:s6+$0x1A720] =	vst v2  }
0x2ca: {  	v2 =	vld.idx.msk [tilespmem:v3+s5+$0x0], $0xffff  }
0x2cb: {  	v4 =	vld [tilespmem:s6+$0x1A730]  }
0x2cc: {  	v3 =	vld [tilespmem:s6+$0x1C740];
	_ =	sdelay $0x2  }
0x2cd: {  	v2 =	vmul.f32 v2, v1;
	_ =	sdelay $0x1  }
0x2ce: {  	v2 =	vadd.f32 v2, v4;
	_ =	sdelay $0x1  }
0x2cf: {  	[tilespmem:s6+$0x1A730] =	vst v2  }
0x2d0: {  	v2 =	vld.idx.msk [tilespmem:v3+s5+$0x0], $0xffff  }
0x2d1: {  	v4 =	vld [tilespmem:s6+$0x1A740]  }
0x2d2: {  	v3 =	vld [tilespmem:s6+$0x1C750];
	_ =	sdelay $0x2  }
0x2d3: {  	v2 =	vmul.f32 v2, v1;
	_ =	sdelay $0x1  }
0x2d4: {  	v2 =	vadd.f32 v2, v4;
	_ =	sdelay $0x1  }
0x2d5: {  	[tilespmem:s6+$0x1A740] =	vst v2  }
0x2d6: {  	v2 =	vld.idx.msk [tilespmem:v3+s5+$0x0], $0xffff  }
0x2d7: {  	v4 =	vld [tilespmem:s6+$0x1A750]  }
0x2d8: {  	v3 =	vld [tilespmem:s6+$0x1C760];
	_ =	sdelay $0x2  }
0x2d9: {  	v2 =	vmul.f32 v2, v1;
	_ =	sdelay $0x1  }
0x2da: {  	v2 =	vadd.f32 v2, v4;
	_ =	sdelay $0x1  }
0x2db: {  	[tilespmem:s6+$0x1A750] =	vst v2  }
0x2dc: {  	v2 =	vld.idx.msk [tilespmem:v3+s5+$0x0], $0xffff  }
0x2dd: {  	v4 =	vld [tilespmem:s6+$0x1A760]  }
0x2de: {  	v3 =	vld [tilespmem:s6+$0x1C770];
	_ =	sdelay $0x2  }
0x2df: {  	v2 =	vmul.f32 v2, v1;
	_ =	sdelay $0x1  }
0x2e0: {  	v2 =	vadd.f32 v2, v4;
	_ =	sdelay $0x1  }
0x2e1: {  	[tilespmem:s6+$0x1A760] =	vst v2  }
0x2e2: {  	v2 =	vld.idx.msk [tilespmem:v3+s5+$0x0], $0xffff;
	_ =	sdelay $0x1  }
0x2e3: {  	v3 =	vld [tilespmem:s6+$0x1A770];
	_ =	sdelay $0x2  }
0x2e4: {  	v2 =	vmul.f32 v2, v1;
	_ =	sdelay $0x1  }
0x2e5: {  	v2 =	vadd.f32 v2, v3;
	_ =	sdelay $0x1  }
0x2e6: {  	[tilespmem:s6+$0x1A770] =	vst v2  }
0x2e7: {  	_ =	swait.ge [sflag:s23], $0x1000  }
0x2e8: {  	[sflag:s23] =	ssyncset.done $0x0  }
0x2e9: {  	s30 =	simm.s32 $0x0;
	[sflag:s23] =	ssyncadd.s32 $0xFFFFF000  }
0x2ea: {  	v2 =	vld [tilespmem:s30+$0x1D700];
	_ =	sdelay $0x7  }
0x2eb: {  	v2 =	vld.idx.msk [tilespmem:v2+s5+$0x0], $0xffff  }
0x2ec: {  	v3 =	vld [tilespmem:s30+$0x1D710]  }
0x2ed: {  	v4 =	vld [tilespmem:s30+$0x1B700];
	_ =	sdelay $0x2  }
0x2ee: {  	v2 =	vmul.f32 v2, v1;
	_ =	sdelay $0x1  }
0x2ef: {  	v2 =	vadd.f32 v2, v4;
	_ =	sdelay $0x1  }
0x2f0: {  	[tilespmem:s30+$0x1B700] =	vst v2  }
0x2f1: {  	v2 =	vld.idx.msk [tilespmem:v3+s5+$0x0], $0xffff  }
0x2f2: {  	v4 =	vld [tilespmem:s30+$0x1B710]  }
0x2f3: {  	v3 =	vld [tilespmem:s30+$0x1D720];
	_ =	sdelay $0x2  }
0x2f4: {  	v2 =	vmul.f32 v2, v1;
	_ =	sdelay $0x1  }
0x2f5: {  	v2 =	vadd.f32 v2, v4;
	_ =	sdelay $0x1  }
0x2f6: {  	[tilespmem:s30+$0x1B710] =	vst v2  }
0x2f7: {  	v2 =	vld.idx.msk [tilespmem:v3+s5+$0x0], $0xffff  }
0x2f8: {  	v4 =	vld [tilespmem:s30+$0x1B720]  }
0x2f9: {  	v3 =	vld [tilespmem:s30+$0x1D730];
	_ =	sdelay $0x2  }
0x2fa: {  	v2 =	vmul.f32 v2, v1;
	_ =	sdelay $0x1  }
0x2fb: {  	v2 =	vadd.f32 v2, v4;
	_ =	sdelay $0x1  }
0x2fc: {  	[tilespmem:s30+$0x1B720] =	vst v2  }
0x2fd: {  	v2 =	vld.idx.msk [tilespmem:v3+s5+$0x0], $0xffff  }
0x2fe: {  	v4 =	vld [tilespmem:s30+$0x1B730]  }
0x2ff: {  	v3 =	vld [tilespmem:s30+$0x1D740];
	_ =	sdelay $0x2  }
0x300: {  	v2 =	vmul.f32 v2, v1;
	_ =	sdelay $0x1  }
0x301: {  	v2 =	vadd.f32 v2, v4;
	_ =	sdelay $0x1  }
0x302: {  	[tilespmem:s30+$0x1B730] =	vst v2  }
0x303: {  	v2 =	vld.idx.msk [tilespmem:v3+s5+$0x0], $0xffff  }
0x304: {  	v4 =	vld [tilespmem:s30+$0x1B740]  }
0x305: {  	v3 =	vld [tilespmem:s30+$0x1D750];
	_ =	sdelay $0x2  }
0x306: {  	v2 =	vmul.f32 v2, v1;
	_ =	sdelay $0x1  }
0x307: {  	v2 =	vadd.f32 v2, v4;
	_ =	sdelay $0x1  }
0x308: {  	[tilespmem:s30+$0x1B740] =	vst v2  }
0x309: {  	v2 =	vld.idx.msk [tilespmem:v3+s5+$0x0], $0xffff  }
0x30a: {  	v4 =	vld [tilespmem:s30+$0x1B750]  }
0x30b: {  	v3 =	vld [tilespmem:s30+$0x1D760];
	_ =	sdelay $0x2  }
0x30c: {  	v2 =	vmul.f32 v2, v1;
	_ =	sdelay $0x1  }
0x30d: {  	v2 =	vadd.f32 v2, v4;
	_ =	sdelay $0x1  }
0x30e: {  	[tilespmem:s30+$0x1B750] =	vst v2  }
0x30f: {  	v2 =	vld.idx.msk [tilespmem:v3+s5+$0x0], $0xffff  }
0x310: {  	v4 =	vld [tilespmem:s30+$0x1B760]  }
0x311: {  	v3 =	vld [tilespmem:s30+$0x1D770];
	_ =	sdelay $0x2  }
0x312: {  	v2 =	vmul.f32 v2, v1;
	_ =	sdelay $0x1  }
0x313: {  	v2 =	vadd.f32 v2, v4;
	_ =	sdelay $0x1  }
0x314: {  	[tilespmem:s30+$0x1B760] =	vst v2  }
0x315: {  	s6 =	simm.s32 $0x80;
	v3 =	vld.idx.msk [tilespmem:v3+s5+$0x0], $0xffff  }
0x316: {  	s0 =	simm.s32 $0x400;
	v2 =	vld [tilespmem:s6+$0x1D700]  }
.LBB2_19:
0x317: {  	p1 =	seq.s32 s0, $0x3E00;
	v4 =	vld [tilespmem:s30+$0x1B770];
	_ =	sdelay $0x2  }
0x318: {  	v3 =	vmul.f32 v3, v1;
	_ =	sdelay $0x1  }
0x319: {  	v3 =	vadd.f32 v3, v4;
	_ =	sdelay $0x1  }
0x31a: {  	[tilespmem:s30+$0x1B770] =	vst v3;
	s30 =	smov.u32 s6  }
0x31b: {  	v2 =	vld.idx.msk [tilespmem:v2+s5+$0x0], $0xffff;
	_ =	sdelay $0x1  }
0x31c: {  	v3 =	vld [tilespmem:s30+$0x1D710]  }
0x31d: {  	v4 =	vld [tilespmem:s30+$0x1B700];
	_ =	sdelay $0x2  }
0x31e: {  	v2 =	vmul.f32 v2, v1;
	_ =	sdelay $0x1  }
0x31f: {  	v2 =	vadd.f32 v2, v4;
	_ =	sdelay $0x1  }
0x320: {  	[tilespmem:s30+$0x1B700] =	vst v2  }
0x321: {  	v2 =	vld.idx.msk [tilespmem:v3+s5+$0x0], $0xffff;
	_ =	sdelay $0x1  }
0x322: {  	v3 =	vld [tilespmem:s30+$0x1D720]  }
0x323: {  	v4 =	vld [tilespmem:s30+$0x1B710];
	_ =	sdelay $0x2  }
0x324: {  	v2 =	vmul.f32 v2, v1;
	_ =	sdelay $0x1  }
0x325: {  	v2 =	vadd.f32 v2, v4;
	_ =	sdelay $0x1  }
0x326: {  	[tilespmem:s30+$0x1B710] =	vst v2  }
0x327: {  	v2 =	vld.idx.msk [tilespmem:v3+s5+$0x0], $0xffff;
	_ =	sdelay $0x1  }
0x328: {  	v3 =	vld [tilespmem:s30+$0x1D730]  }
0x329: {  	v4 =	vld [tilespmem:s30+$0x1B720];
	_ =	sdelay $0x2  }
0x32a: {  	v2 =	vmul.f32 v2, v1;
	_ =	sdelay $0x1  }
0x32b: {  	v2 =	vadd.f32 v2, v4;
	_ =	sdelay $0x1  }
0x32c: {  	[tilespmem:s30+$0x1B720] =	vst v2  }
0x32d: {  	v2 =	vld.idx.msk [tilespmem:v3+s5+$0x0], $0xffff;
	_ =	sdelay $0x1  }
0x32e: {  	v3 =	vld [tilespmem:s30+$0x1D740]  }
0x32f: {  	v4 =	vld [tilespmem:s30+$0x1B730];
	_ =	sdelay $0x2  }
0x330: {  	v2 =	vmul.f32 v2, v1;
	_ =	sdelay $0x1  }
0x331: {  	v2 =	vadd.f32 v2, v4;
	_ =	sdelay $0x1  }
0x332: {  	[tilespmem:s30+$0x1B730] =	vst v2  }
0x333: {  	v2 =	vld.idx.msk [tilespmem:v3+s5+$0x0], $0xffff;
	_ =	sdelay $0x1  }
0x334: {  	v3 =	vld [tilespmem:s30+$0x1D750]  }
0x335: {  	v4 =	vld [tilespmem:s30+$0x1B740];
	_ =	sdelay $0x2  }
0x336: {  	v2 =	vmul.f32 v2, v1;
	_ =	sdelay $0x1  }
0x337: {  	v2 =	vadd.f32 v2, v4;
	_ =	sdelay $0x1  }
0x338: {  	[tilespmem:s30+$0x1B740] =	vst v2  }
0x339: {  	v2 =	vld.idx.msk [tilespmem:v3+s5+$0x0], $0xffff;
	_ =	sdelay $0x1  }
0x33a: {  	v3 =	vld [tilespmem:s30+$0x1D760]  }
0x33b: {  	v4 =	vld [tilespmem:s30+$0x1B750];
	_ =	sdelay $0x2  }
0x33c: {  	v2 =	vmul.f32 v2, v1;
	_ =	sdelay $0x1  }
0x33d: {  	v2 =	vadd.f32 v2, v4;
	_ =	sdelay $0x1  }
0x33e: {  	[tilespmem:s30+$0x1B750] =	vst v2  }
0x33f: {  	v2 =	vld.idx.msk [tilespmem:v3+s5+$0x0], $0xffff;
	_ =	sdelay $0x1  }
0x340: {  	v3 =	vld [tilespmem:s30+$0x1D770]  }
0x341: {  	v4 =	vld [tilespmem:s30+$0x1B760];
	_ =	sdelay $0x2  }
0x342: {  	v2 =	vmul.f32 v2, v1;
	_ =	sdelay $0x1  }
0x343: {  	v2 =	vadd.f32 v2, v4  }
.Ltmp7:
0x344: {  	(pc) =	sbr.rel @!p1 .LBB2_19-.Ltmp7, $4  }
0x345: {  	[tilespmem:s30+$0x1B760] =	vst v2  }
0x346: {  	v3 =	vld.idx.msk [tilespmem:v3+s5+$0x0], $0xffff  }
0x347: {  	s6 =	sshra.s32 s0, $0x2  }
0x348: {  	s0 =	sadd.s32 $0x200, s0;
	v2 =	vld [tilespmem:s6+$0x1D700]  }
0x349: {  	v4 =	vld [tilespmem:s30+$0x1B770];
	_ =	sdelay $0x2  }
0x34a: {  	v3 =	vmul.f32 v3, v1;
	_ =	sdelay $0x1  }
0x34b: {  	v3 =	vadd.f32 v3, v4;
	_ =	sdelay $0x1  }
0x34c: {  	[tilespmem:s30+$0x1B770] =	vst v3  }
0x34d: {  	v2 =	vld.idx.msk [tilespmem:v2+s5+$0x0], $0xffff  }
0x34e: {  	v3 =	vld [tilespmem:s6+$0x1D710]  }
0x34f: {  	v57 =	vld [tilespmem:s6+$0x1B700];
	_ =	sdelay $0x2  }
0x350: {  	v2 =	vmul.f32 v2, v1;
	_ =	sdelay $0x1  }
0x351: {  	v2 =	vadd.f32 v2, v57;
	_ =	sdelay $0x1  }
0x352: {  	[tilespmem:s6+$0x1B700] =	vst v2  }
0x353: {  	v2 =	vld.idx.msk [tilespmem:v3+s5+$0x0], $0xffff  }
0x354: {  	v58 =	vld [tilespmem:s6+$0x1B710]  }
0x355: {  	v3 =	vld [tilespmem:s6+$0x1D720];
	_ =	sdelay $0x2  }
0x356: {  	v2 =	vmul.f32 v2, v1;
	_ =	sdelay $0x1  }
0x357: {  	v2 =	vadd.f32 v2, v58;
	_ =	sdelay $0x1  }
0x358: {  	[tilespmem:s6+$0x1B710] =	vst v2  }
0x359: {  	v2 =	vld.idx.msk [tilespmem:v3+s5+$0x0], $0xffff  }
0x35a: {  	v59 =	vld [tilespmem:s6+$0x1B720]  }
0x35b: {  	v3 =	vld [tilespmem:s6+$0x1D730];
	_ =	sdelay $0x2  }
0x35c: {  	v2 =	vmul.f32 v2, v1;
	_ =	sdelay $0x1  }
0x35d: {  	v2 =	vadd.f32 v2, v59;
	_ =	sdelay $0x1  }
0x35e: {  	[tilespmem:s6+$0x1B720] =	vst v2  }
0x35f: {  	v2 =	vld.idx.msk [tilespmem:v3+s5+$0x0], $0xffff  }
0x360: {  	v60 =	vld [tilespmem:s6+$0x1B730]  }
0x361: {  	v3 =	vld [tilespmem:s6+$0x1D740];
	_ =	sdelay $0x2  }
0x362: {  	v2 =	vmul.f32 v2, v1;
	_ =	sdelay $0x1  }
0x363: {  	v2 =	vadd.f32 v2, v60;
	_ =	sdelay $0x1  }
0x364: {  	[tilespmem:s6+$0x1B730] =	vst v2  }
0x365: {  	v2 =	vld.idx.msk [tilespmem:v3+s5+$0x0], $0xffff  }
0x366: {  	v61 =	vld [tilespmem:s6+$0x1B740]  }
0x367: {  	v3 =	vld [tilespmem:s6+$0x1D750];
	_ =	sdelay $0x2  }
0x368: {  	v2 =	vmul.f32 v2, v1;
	_ =	sdelay $0x1  }
0x369: {  	v2 =	vadd.f32 v2, v61;
	_ =	sdelay $0x1  }
0x36a: {  	[tilespmem:s6+$0x1B740] =	vst v2  }
0x36b: {  	v2 =	vld.idx.msk [tilespmem:v3+s5+$0x0], $0xffff  }
0x36c: {  	v62 =	vld [tilespmem:s6+$0x1B750]  }
0x36d: {  	v3 =	vld [tilespmem:s6+$0x1D760];
	_ =	sdelay $0x2  }
0x36e: {  	v2 =	vmul.f32 v2, v1;
	_ =	sdelay $0x1  }
0x36f: {  	v2 =	vadd.f32 v2, v62;
	_ =	sdelay $0x1  }
0x370: {  	[tilespmem:s6+$0x1B750] =	vst v2  }
0x371: {  	v2 =	vld.idx.msk [tilespmem:v3+s5+$0x0], $0xffff  }
0x372: {  	v63 =	vld [tilespmem:s6+$0x1B760]  }
0x373: {  	v3 =	vld [tilespmem:s6+$0x1D770];
	_ =	sdelay $0x2  }
0x374: {  	v2 =	vmul.f32 v2, v1;
	_ =	sdelay $0x1  }
0x375: {  	v2 =	vadd.f32 v2, v63;
	_ =	sdelay $0x1  }
0x376: {  	[tilespmem:s6+$0x1B760] =	vst v2  }
0x377: {  	v2 =	vld.idx.msk [tilespmem:v3+s5+$0x0], $0xffff;
	_ =	sdelay $0x1  }
0x378: {  	v3 =	vld [tilespmem:s6+$0x1B770];
	_ =	sdelay $0x2  }
0x379: {  	v1 =	vmul.f32 v2, v1;
	_ =	sdelay $0x1  }
0x37a: {  	v1 =	vadd.f32 v1, v3;
	_ =	sdelay $0x1  }
0x37b: {  	[tilespmem:s6+$0x1B770] =	vst v1  }
0x37c: {  	p1 =	seq.s32 s29, $0x19  }
.Ltmp8:
0x37d: {  	_ = 	snop;
	(pc) =	sbr.rel @!p1 .LBB2_12-.Ltmp8, $1  }
0x37e: {  	_ =	sdelay $0x3  }
0x37f: {  	s0 =	sor.u32 s12, s26  }
0x380: {  	s0 =	sshrl.u32 s0, $0x3  }
.Ltmp9:
0x381: {  	s6 =	sadd.s32 s4, s0;
	s0 =	simm.s32 $0x80;
	(pc) =	sbr.rel @p0 .LBB2_2-.Ltmp9, $4  }
0x382: {  	[hbm4b:s6+s0] =	stream.strided.scatter [tilespmem:s24], [sflag:$0x4], $0x4000, s18, s0, $0x38;
	[tilespmem:$0x1F700] =	vst v63  }
0x383: {  	_ =	swait.ge [sflag:s16], $0x4000  }
0x384: {  	[sflag:s16] =	ssyncset.done $0x0  }
0x385: {  	p1 =	por $0x0, $0x0;
	[sflag:s16] =	ssyncadd.s32 $0xFFFFC000  }
0x386: {  	s25 =	sadd.s32 $0x1, s25  }
0x387: {  	p0 =	sne.s32 s25, s13  }
.Ltmp10:
0x388: {  	_ = 	snop;
	(pc) =	sbr.rel @p0 .LBB2_1-.Ltmp10, $1  }
0x389: {  	_ =	sdelay $0x3  }
0x38a: {  	_ =	sfence.sel $0x180000  }
0x38b: {  	[bflag:$0x0] =	sbarrier.arrive $0xFFFF  }
0x38c: {  	_ =	strace $0x90000047  }
0x38d: {  	s0 =	stileid.u32;
	[bflag:$0x2] =	sbarrier.arrive $0xFFFF  }
0x38e: {  	p0 =	sne.s32 s0, $0x0;
	s0 =	rddreg [dreg:$0x5]  }
0x38f: {  	s0 =	sadd.s32 @!p0 $0x100000, s0  }
0x390: {  	[sflag:s0] =	ssyncadd.tile.s32 @!p0 $0x1;
	_ =	shalt  }
.Lfunc_end2:
_tile_overlayer_lowered:
.L_overlay_start_2:
0x391: {  	(tag) =	ssettag $0x2  }
0x392: {  	s0 =	rddreg [dreg:$0x0];
	s2 =	stileid.u32  }
0x393: {  	s1 =	rddreg [dreg:$0x1];
	p0 =	sne.s32 s2, $0x0  }
0x394: {  	s3 =	rddreg [dreg:$0x2];
	[bflag:$0x3] =	sbarrier.arrive $0xFFFF;
	s2 =	simm.s32 @!p0 $0x1C04  }
0x395: {  	[timem:s3], [sflag:s2] =	dma.local @!p0 [hbm:s0], s1  }
0x396: {  	s0 =	simm.s32 @!p0 $0x4  }
0x397: {  	_ =	swait.ge @!p0 [sflag:s0], s1  }
0x398: {  	s1 =	ssub.s32 @!p0 $0x0, s1;
	[sflag:s0] =	ssyncset.done @!p0 $0x0  }
0x399: {  	[sflag:s0] =	ssyncadd.s32 @!p0 s1  }
0x39a: {  	[bflag:$0x3] =	sbarrier.arrive $0xFFFF  }
0x39b: {  	_ =	shalt  }

</sc_bundles>
